<compile_context>
chip_gen: v7x
topology: tpu7x:2x2x1
jax: 0.10.2.dev20260603
libtpu: 0.0.44.dev20260713+nightly
codegen_flags: <defaults>
</compile_context>

<pallas_src>
import functools

import jax
import jax.numpy as jnp
from jax import lax
from jax.experimental import pallas as pl
from jax.experimental.pallas import tpu as pltpu
from jax.experimental.pallas import tpu_sc as plsc

N = 10000
E = 320000
D = 128

NC = 2
NS = 16
NW = NC * NS

CHUNK = 80
E_PER_TILE = E // NW
CHUNKS_PER_TILE = E_PER_TILE // CHUNK
IBLOCKS = 5
CPB = CHUNKS_PER_TILE // IBLOCKS
ZCHUNK = 80
N_ZCHUNKS = N // ZCHUNK
ZITERS = (N_ZCHUNKS + NS - 1) // NS


def _sc_agg_body(h_hbm, idx_hbm, zeros_hbm, out_hbm,
                 idx_all, rows0, rows1, rows2, agg_sh,
                 gsem0, gsem1, gsem2, ssem0, ssem1, ssem2):
    cid = lax.axis_index("c")
    sid = lax.axis_index("s")
    wid = cid * NS + sid

    rows = (rows0, rows1, rows2)
    gsem = (gsem0, gsem1, gsem2)
    ssem = (ssem0, ssem1, ssem2)

    def load_block(b):
        pltpu.sync_copy(idx_hbm.at[wid, b], idx_all)

    def start_gather(c, i):
        pltpu.async_copy(h_hbm.at[idx_all.at[0, c]], rows[i], gsem[i])

    def wait_gather(c, i):
        pltpu.make_async_copy(h_hbm.at[idx_all.at[0, c]], rows[i],
                              gsem[i]).wait()

    def start_scatter(c, i):
        pltpu.async_copy(rows[i], agg_sh.at[idx_all.at[1, c]], ssem[i],
                         add=True)

    def wait_scatter(c, i):
        pltpu.make_async_copy(rows[i], agg_sh.at[idx_all.at[1, c]],
                              ssem[i]).wait()

    load_block(0)
    start_gather(0, 0)
    start_gather(1, 1)
    start_gather(2, 2)

    def zbody(k, carry):
        chunk = k * NS + sid

        @pl.when(chunk < N_ZCHUNKS)
        def _():
            pltpu.sync_copy(zeros_hbm.at[pl.ds(chunk * ZCHUNK, ZCHUNK)],
                            agg_sh.at[pl.ds(chunk * ZCHUNK, ZCHUNK)])

        return carry

    lax.fori_loop(0, ZITERS, zbody, None)
    plsc.subcore_barrier()

    def block_body(b, carry):
        def triple(k, carry2):
            for j in range(3):
                c = 3 * k + j
                i = j

                wait_gather(c, i)
                start_scatter(c, i)

                nxt = c + 2
                ni = (j + 2) % 3
                if j == 2:
                    @pl.when(nxt < CPB)
                    def _(nxt=nxt, ni=ni, c=c):
                        wait_scatter(c - 1, ni)
                        start_gather(nxt, ni)
                elif j == 0:
                    @pl.when(c > 0)
                    def _(c=c, ni=ni, nxt=nxt):
                        wait_scatter(c - 1, ni)
                        start_gather(nxt, ni)

                else:
                    wait_scatter(c - 1, ni)
                    start_gather(nxt, ni)
            return carry2

        lax.fori_loop(0, CPB // 3, triple, None)

        tail = CPB - 1
        wait_gather(tail, tail % 3)
        start_scatter(tail, tail % 3)
        wait_scatter(tail - 2, (tail - 2) % 3)
        wait_scatter(tail - 1, (tail - 1) % 3)
        wait_scatter(tail, tail % 3)

        @pl.when(b + 1 < IBLOCKS)
        def _():
            load_block(b + 1)
            start_gather(0, 0)
            start_gather(1, 1)
            start_gather(2, 2)

        return carry

    lax.fori_loop(0, IBLOCKS, block_body, None)
    plsc.subcore_barrier()

    def dbody(k, carry):
        chunk = k * NS + sid

        @pl.when(chunk < N_ZCHUNKS)
        def _():
            pltpu.sync_copy(agg_sh.at[pl.ds(chunk * ZCHUNK, ZCHUNK)],
                            out_hbm.at[cid, pl.ds(chunk * ZCHUNK, ZCHUNK)])

        return carry

    lax.fori_loop(0, ZITERS, dbody, None)


@functools.partial(jax.jit, static_argnames=())
def _sc_agg(h, idx4d, zeros_tile):
    mesh = plsc.VectorSubcoreMesh(core_axis_name="c", subcore_axis_name="s")
    fn = pl.kernel(
        _sc_agg_body,
        out_type=jax.ShapeDtypeStruct((NC, N, D), jnp.float32),
        mesh=mesh,
        scratch_types=[
            pltpu.VMEM((2, CPB, CHUNK), jnp.int32),
            pltpu.VMEM((CHUNK, D), jnp.float32),
            pltpu.VMEM((CHUNK, D), jnp.float32),
            pltpu.VMEM((CHUNK, D), jnp.float32),
            pltpu.VMEM_SHARED((N, D), jnp.float32),
            pltpu.SemaphoreType.DMA,
            pltpu.SemaphoreType.DMA,
            pltpu.SemaphoreType.DMA,
            pltpu.SemaphoreType.DMA,
            pltpu.SemaphoreType.DMA,
            pltpu.SemaphoreType.DMA,
        ],
    )
    return fn(h, idx4d, zeros_tile)


def _dense_body(relu, p0_ref, p1_ref, x_ref, wr_ref, b_ref, wroot_ref, o_ref):
    agg = p0_ref[...] + p1_ref[...]
    acc = lax.dot_general(agg, wr_ref[...], (((1,), (1,)), ((), ())),
                          preferred_element_type=jnp.float32)
    acc = acc + lax.dot_general(x_ref[...], wroot_ref[...],
                                (((1,), (1,)), ((), ())),
                                preferred_element_type=jnp.float32)
    acc = acc + b_ref[...]
    if relu:
        acc = jnp.maximum(acc, 0.0)
    o_ref[...] = acc


def _dense_call(partials, x, w_rel, b_rel, w_root, relu):
    blk = 1000
    grid = N // blk
    body = functools.partial(_dense_body, relu)
    p0 = partials[0]
    p1 = partials[1]
    return pl.pallas_call(
        body,
        grid=(grid,),
        in_specs=[
            pl.BlockSpec((blk, D), lambda i: (i, 0)),
            pl.BlockSpec((blk, D), lambda i: (i, 0)),
            pl.BlockSpec((blk, D), lambda i: (i, 0)),
            pl.BlockSpec((D, D), lambda i: (0, 0)),
            pl.BlockSpec((1, D), lambda i: (0, 0)),
            pl.BlockSpec((D, D), lambda i: (0, 0)),
        ],
        out_specs=pl.BlockSpec((blk, D), lambda i: (i, 0)),
        out_shape=jax.ShapeDtypeStruct((N, D), jnp.float32),
    )(p0, p1, x, w_rel, b_rel.reshape(1, D), w_root)


def kernel(x, edge_index, W1_rel, b1_rel, W1_root, W2_rel, b2_rel, W2_root,
           W3_rel, b3_rel, W3_root):
    idx4d = jnp.stack(
        [edge_index[0].astype(jnp.int32).reshape(NW, IBLOCKS, CPB, CHUNK),
         edge_index[1].astype(jnp.int32).reshape(NW, IBLOCKS, CPB, CHUNK)],
        axis=2).reshape(NW, IBLOCKS, 2, CPB, CHUNK)
    zeros_tile = jnp.zeros((N, D), jnp.float32)

    h = x
    for W_rel, b_rel, W_root, relu in (
        (W1_rel, b1_rel, W1_root, True),
        (W2_rel, b2_rel, W2_root, True),
        (W3_rel, b3_rel, W3_root, False),
    ):
        partials = _sc_agg(h, idx4d, zeros_tile)
        h = _dense_call(partials, h, W_rel, b_rel, W_root, relu)
    return h

# --- scband reference (transcript-rebuilt; emitter-appended) ---
"""Pipeline reference for scband-mpn-53386443489657 (READ-ONLY COPY).

The authoritative reference and input builder live on the scoring server;
editing this copy changes nothing except your own understanding.
"""

import jax, jax.numpy as jnp
import numpy as np

N_NODES = 10000
N_EDGES = 320000
D = 128


def setup_inputs(seed: int = 0) -> dict:
    key = jax.random.key(seed)
    ks = jax.random.split(key, 12)
    x = jax.random.normal(ks[0], (N_NODES, D), dtype=jnp.float32)
    edge_index = jax.random.randint(ks[1], (2, N_EDGES), 0, N_NODES, dtype=jnp.int64) if jax.config.jax_enable_x64 else jax.random.randint(ks[1], (2, N_EDGES), 0, N_NODES).astype(jnp.int32)
    scale = 1.0 / np.sqrt(D)
    params = {}
    for i, (kw, kb, kr) in enumerate([(ks[2], ks[3], ks[4]), (ks[5], ks[6], ks[7]), (ks[8], ks[9], ks[10])], start=1):
        params[f"W{i}_rel"] = jax.random.uniform(kw, (D, D), dtype=jnp.float32, minval=-scale, maxval=scale)
        params[f"b{i}_rel"] = jax.random.uniform(kb, (D,), dtype=jnp.float32, minval=-scale, maxval=scale)
        params[f"W{i}_root"] = jax.random.uniform(kr, (D, D), dtype=jnp.float32, minval=-scale, maxval=scale)
    return {"x": x, "edge_index": edge_index, **params}


def _graph_conv(x, src, dst, W_rel, b_rel, W_root):
    # PyG GraphConv: out = lin_rel(sum_{j in N(i)} x_j) + lin_root(x_i)
    msgs = jnp.take(x, src, axis=0)                       # gather source node feats [E, D]
    agg = jax.ops.segment_sum(msgs, dst, num_segments=N_NODES)  # scatter-add to dst [N, D]
    return agg @ W_rel.T + b_rel + x @ W_root.T


def reference(x, edge_index, W1_rel, b1_rel, W1_root, W2_rel, b2_rel, W2_root, W3_rel, b3_rel, W3_root):
    src = edge_index[0]
    dst = edge_index[1]
    h = jax.nn.relu(_graph_conv(x, src, dst, W1_rel, b1_rel, W1_root))
    h = jax.nn.relu(_graph_conv(h, src, dst, W2_rel, b2_rel, W2_root))
    h = _graph_conv(h, src, dst, W3_rel, b3_rel, W3_root)
    return h

if __name__ == "__main__":
    import jax
    _d = setup_inputs()
    print(jax.jit(kernel)(*tuple(_d.values())))

</pallas_src>

<mosaic_0001>
#map = affine_map<(d0, d1) -> (0, 0)>
#map1 = affine_map<(d0, d1) -> (0, 0, 0, 0, 0)>
#map2 = affine_map<(d0, d1) -> (0, 0, 0)>
module attributes {stable_mosaic.version = 14 : i64} {
  func.func @_sc_agg_body(%arg0: i32, %arg1: i32, %arg2: memref<10000x128xf32, #tpu.memory_space<hbm>>, %arg3: memref<32x5x2x25x80xi32, #tpu.memory_space<hbm>>, %arg4: memref<10000x128xf32, #tpu.memory_space<hbm>>, %arg5: memref<2x10000x128xf32, #tpu.memory_space<hbm>>, %arg6: memref<2x25x80xi32, #tpu.memory_space<vmem>>, %arg7: memref<80x128xf32, #tpu.memory_space<vmem>>, %arg8: memref<80x128xf32, #tpu.memory_space<vmem>>, %arg9: memref<80x128xf32, #tpu.memory_space<vmem>>, %arg10: memref<10000x128xf32, #tpu.memory_space<vmem_shared>>, %arg11: memref<!tpu.dma_semaphore, #tpu.memory_space<semaphore_mem>>, %arg12: memref<!tpu.dma_semaphore, #tpu.memory_space<semaphore_mem>>, %arg13: memref<!tpu.dma_semaphore, #tpu.memory_space<semaphore_mem>>, %arg14: memref<!tpu.dma_semaphore, #tpu.memory_space<semaphore_mem>>, %arg15: memref<!tpu.dma_semaphore, #tpu.memory_space<semaphore_mem>>, %arg16: memref<!tpu.dma_semaphore, #tpu.memory_space<semaphore_mem>>) attributes {dimension_semantics = [#tpu.dimension_semantics<core_parallel>, #tpu.dimension_semantics<subcore_parallel>], iteration_bounds = array<i64: 2, 16>, scalar_prefetch = 0 : i64, scratch_operands = 11 : i64, tpu.core_type = #tpu.core_type<sc_vector_subcore>, window_params = [{transform_indices = #map}, {transform_indices = #map1}, {transform_indices = #map}, {transform_indices = #map2}]} {
    %mul3A = arith.constant 16 : i32
    %mul3A_0 = arith.muli %arg0, %mul3A : i32
    %add3A = arith.addi %mul3A_0, %arg1 : i32
    %run_scoped3A = arith.constant 0 : i32
    "tpu.region"() ({
      %run_scoped3A_39 = tpu.sem_alloc : memref<!tpu.dma_semaphore, #tpu.memory_space<semaphore_mem>>
      %dma_start3A_40 = arith.constant 0 : i32
      %dma_start3A_41 = arith.constant 0 : i32
      %dma_start3A_42 = arith.constant 0 : i32
      %dma_start3A_43 = tpu.memref_slice %arg3[%add3A, %run_scoped3A, %dma_start3A_40, %dma_start3A_41, %dma_start3A_42] : memref<32x5x2x25x80xi32, #tpu.memory_space<hbm>> -> memref<1x1x2x25x80xi32, #tpu.memory_space<hbm>>
      %dma_start3A_44 = tpu.memref_squeeze %dma_start3A_43 : memref<1x1x2x25x80xi32, #tpu.memory_space<hbm>> -> memref<2x25x80xi32, #tpu.memory_space<hbm>>
      %dma_start3A_45 = arith.constant 0 : i32
      %dma_start3A_46 = arith.constant 0 : i32
      %dma_start3A_47 = arith.constant 0 : i32
      %dma_start3A_48 = tpu.memref_slice %arg3[%add3A, %run_scoped3A, %dma_start3A_45, %dma_start3A_46, %dma_start3A_47] : memref<32x5x2x25x80xi32, #tpu.memory_space<hbm>> -> memref<1x1x2x25x80xi32, #tpu.memory_space<hbm>>
      %dma_start3A_49 = tpu.memref_squeeze %dma_start3A_48 : memref<1x1x2x25x80xi32, #tpu.memory_space<hbm>> -> memref<2x25x80xi32, #tpu.memory_space<hbm>>
      tpu.enqueue_dma source(%dma_start3A_49 : memref<2x25x80xi32, #tpu.memory_space<hbm>>) target(%arg6 : memref<2x25x80xi32, #tpu.memory_space<vmem>>) target_semaphore(%run_scoped3A_39 : memref<!tpu.dma_semaphore, #tpu.memory_space<semaphore_mem>>)
      %dma_wait3A = arith.constant 0 : i32
      %dma_wait3A_50 = arith.constant 0 : i32
      %dma_wait3A_51 = arith.constant 0 : i32
      %dma_wait3A_52 = tpu.memref_slice %arg3[%add3A, %run_scoped3A, %dma_wait3A, %dma_wait3A_50, %dma_wait3A_51] : memref<32x5x2x25x80xi32, #tpu.memory_space<hbm>> -> memref<1x1x2x25x80xi32, #tpu.memory_space<hbm>>
      %dma_wait3A_53 = tpu.memref_squeeze %dma_wait3A_52 : memref<1x1x2x25x80xi32, #tpu.memory_space<hbm>> -> memref<2x25x80xi32, #tpu.memory_space<hbm>>
      %dma_wait3A_54 = arith.constant 0 : i32
      %dma_wait3A_55 = arith.constant 0 : i32
      %dma_wait3A_56 = arith.constant 0 : i32
      %dma_wait3A_57 = tpu.memref_slice %arg3[%add3A, %run_scoped3A, %dma_wait3A_54, %dma_wait3A_55, %dma_wait3A_56] : memref<32x5x2x25x80xi32, #tpu.memory_space<hbm>> -> memref<1x1x2x25x80xi32, #tpu.memory_space<hbm>>
      %dma_wait3A_58 = tpu.memref_squeeze %dma_wait3A_57 : memref<1x1x2x25x80xi32, #tpu.memory_space<hbm>> -> memref<2x25x80xi32, #tpu.memory_space<hbm>>
      tpu.wait_dma2 semaphore(%run_scoped3A_39 : memref<!tpu.dma_semaphore, #tpu.memory_space<semaphore_mem>>) src(%dma_wait3A_58 : memref<2x25x80xi32, #tpu.memory_space<hbm>>) dst(%arg6 : memref<2x25x80xi32, #tpu.memory_space<vmem>>)
      tpu.yield
    }) : () -> ()
    %dma_start3A = arith.constant 0 : i32
    %dma_start3A_1 = arith.constant 0 : i32
    %dma_start3A_2 = arith.constant 0 : i32
    %dma_start3A_3 = tpu.memref_slice %arg6[%dma_start3A, %dma_start3A_1, %dma_start3A_2] : memref<2x25x80xi32, #tpu.memory_space<vmem>> -> memref<1x1x80xi32, #tpu.memory_space<vmem>>
    %dma_start3A_4 = tpu.memref_squeeze %dma_start3A_3 : memref<1x1x80xi32, #tpu.memory_space<vmem>> -> memref<80xi32, #tpu.memory_space<vmem>>
    %dma_start3A_5 = arith.constant 0 : i32
    %dma_start3A_6 = arith.constant 0 : i32
    %dma_start3A_7 = tpu.memref_slice %arg2[%dma_start3A_5, %dma_start3A_6] : memref<10000x128xf32, #tpu.memory_space<hbm>> -> memref<10000x128xf32, #tpu.memory_space<hbm>>
    tpu.enqueue_indirect_dma source(%dma_start3A_7 : memref<10000x128xf32, #tpu.memory_space<hbm>>) target(%arg7 : memref<80x128xf32, #tpu.memory_space<vmem>>) offsets(%dma_start3A_4 : memref<80xi32, #tpu.memory_space<vmem>>) semaphore(%arg11 : memref<!tpu.dma_semaphore, #tpu.memory_space<semaphore_mem>>)
    %dma_start3A_8 = arith.constant 0 : i32
    %dma_start3A_9 = arith.constant 1 : i32
    %dma_start3A_10 = arith.constant 0 : i32
    %dma_start3A_11 = tpu.memref_slice %arg6[%dma_start3A_8, %dma_start3A_9, %dma_start3A_10] : memref<2x25x80xi32, #tpu.memory_space<vmem>> -> memref<1x1x80xi32, #tpu.memory_space<vmem>>
    %dma_start3A_12 = tpu.memref_squeeze %dma_start3A_11 : memref<1x1x80xi32, #tpu.memory_space<vmem>> -> memref<80xi32, #tpu.memory_space<vmem>>
    %dma_start3A_13 = arith.constant 0 : i32
    %dma_start3A_14 = arith.constant 0 : i32
    %dma_start3A_15 = tpu.memref_slice %arg2[%dma_start3A_13, %dma_start3A_14] : memref<10000x128xf32, #tpu.memory_space<hbm>> -> memref<10000x128xf32, #tpu.memory_space<hbm>>
    tpu.enqueue_indirect_dma source(%dma_start3A_15 : memref<10000x128xf32, #tpu.memory_space<hbm>>) target(%arg8 : memref<80x128xf32, #tpu.memory_space<vmem>>) offsets(%dma_start3A_12 : memref<80xi32, #tpu.memory_space<vmem>>) semaphore(%arg12 : memref<!tpu.dma_semaphore, #tpu.memory_space<semaphore_mem>>)
    %dma_start3A_16 = arith.constant 0 : i32
    %dma_start3A_17 = arith.constant 2 : i32
    %dma_start3A_18 = arith.constant 0 : i32
    %dma_start3A_19 = tpu.memref_slice %arg6[%dma_start3A_16, %dma_start3A_17, %dma_start3A_18] : memref<2x25x80xi32, #tpu.memory_space<vmem>> -> memref<1x1x80xi32, #tpu.memory_space<vmem>>
    %dma_start3A_20 = tpu.memref_squeeze %dma_start3A_19 : memref<1x1x80xi32, #tpu.memory_space<vmem>> -> memref<80xi32, #tpu.memory_space<vmem>>
    %dma_start3A_21 = arith.constant 0 : i32
    %dma_start3A_22 = arith.constant 0 : i32
    %dma_start3A_23 = tpu.memref_slice %arg2[%dma_start3A_21, %dma_start3A_22] : memref<10000x128xf32, #tpu.memory_space<hbm>> -> memref<10000x128xf32, #tpu.memory_space<hbm>>
    tpu.enqueue_indirect_dma source(%dma_start3A_23 : memref<10000x128xf32, #tpu.memory_space<hbm>>) target(%arg9 : memref<80x128xf32, #tpu.memory_space<vmem>>) offsets(%dma_start3A_20 : memref<80xi32, #tpu.memory_space<vmem>>) semaphore(%arg13 : memref<!tpu.dma_semaphore, #tpu.memory_space<semaphore_mem>>)
    %scan3A = arith.constant 0 : i32
    %scan3A_24 = arith.constant 8 : i32
    %scan3A_25 = arith.addi %scan3A, %scan3A_24 : i32
    %scan3A_26 = arith.constant 1 : i32
    scf.for %scan3A_39 = %scan3A to %scan3A_25 step %scan3A_26  : i32 {
      %mul3A_40 = arith.constant 16 : i32
      %mul3A_41 = arith.muli %scan3A_39, %mul3A_40 : i32
      %add3A_42 = arith.addi %mul3A_41, %arg1 : i32
      %lt3A = arith.constant 125 : i32
      %lt3A_43 = arith.cmpi slt, %add3A_42, %lt3A : i32
      %convert_element_type3A = arith.extui %lt3A_43 : i1 to i32
      %cond3A = arith.constant 0 : i32
      %cond3A_44 = arith.cmpi ne, %convert_element_type3A, %cond3A : i32
      scf.if %cond3A_44 {
        %mul3A_45 = arith.constant 80 : i32
        %mul3A_46 = arith.muli %add3A_42, %mul3A_45 : i32
        %mul3A_47 = arith.constant 80 : i32
        %mul3A_48 = arith.muli %add3A_42, %mul3A_47 : i32
        "tpu.region"() ({
          %run_scoped3A_49 = tpu.sem_alloc : memref<!tpu.dma_semaphore, #tpu.memory_space<semaphore_mem>>
          %dma_start3A_50 = arith.constant 0 : i32
          %dma_start3A_51 = tpu.memref_slice %arg10[%mul3A_48, %dma_start3A_50] : memref<10000x128xf32, #tpu.memory_space<vmem_shared>> -> memref<80x128xf32, #tpu.memory_space<vmem_shared>>
          %dma_start3A_52 = arith.constant 0 : i32
          %dma_start3A_53 = tpu.memref_slice %arg4[%mul3A_46, %dma_start3A_52] : memref<10000x128xf32, #tpu.memory_space<hbm>> -> memref<80x128xf32, #tpu.memory_space<hbm>>
          tpu.enqueue_dma source(%dma_start3A_53 : memref<80x128xf32, #tpu.memory_space<hbm>>) target(%dma_start3A_51 : memref<80x128xf32, #tpu.memory_space<vmem_shared>>) target_semaphore(%run_scoped3A_49 : memref<!tpu.dma_semaphore, #tpu.memory_space<semaphore_mem>>)
          %dma_wait3A = arith.constant 0 : i32
          %dma_wait3A_54 = tpu.memref_slice %arg10[%mul3A_48, %dma_wait3A] : memref<10000x128xf32, #tpu.memory_space<vmem_shared>> -> memref<80x128xf32, #tpu.memory_space<vmem_shared>>
          %dma_wait3A_55 = arith.constant 0 : i32
          %dma_wait3A_56 = tpu.memref_slice %arg4[%mul3A_46, %dma_wait3A_55] : memref<10000x128xf32, #tpu.memory_space<hbm>> -> memref<80x128xf32, #tpu.memory_space<hbm>>
          tpu.wait_dma2 semaphore(%run_scoped3A_49 : memref<!tpu.dma_semaphore, #tpu.memory_space<semaphore_mem>>) src(%dma_wait3A_56 : memref<80x128xf32, #tpu.memory_space<hbm>>) dst(%dma_wait3A_54 : memref<80x128xf32, #tpu.memory_space<vmem_shared>>)
          tpu.yield
        }) : () -> ()
      } else {
      }
    }
    %scan3A_27 = arith.constant 8 : i32
    %barrier3A = arith.constant 0 : index
    tpu.barrier barrier_id(%barrier3A)
    %scan3A_28 = arith.constant 0 : i32
    %scan3A_29 = arith.constant 5 : i32
    %scan3A_30 = arith.addi %scan3A_28, %scan3A_29 : i32
    %scan3A_31 = arith.constant 1 : i32
    scf.for %scan3A_39 = %scan3A_28 to %scan3A_30 step %scan3A_31  : i32 {
      %scan3A_40 = arith.constant 0 : i32
      %scan3A_41 = arith.constant 8 : i32
      %scan3A_42 = arith.addi %scan3A_40, %scan3A_41 : i32
      %scan3A_43 = arith.constant 1 : i32
      scf.for %scan3A_88 = %scan3A_40 to %scan3A_42 step %scan3A_43  : i32 {
        %mul3A_89 = arith.constant 3 : i32
        %mul3A_90 = arith.muli %mul3A_89, %scan3A_88 : i32
        %add3A_91 = arith.constant 0 : i32
        %add3A_92 = arith.addi %mul3A_90, %add3A_91 : i32
        %dma_wait3A_93 = arith.constant 0 : i32
        %dma_wait3A_94 = arith.constant 0 : i32
        %dma_wait3A_95 = tpu.memref_slice %arg6[%dma_wait3A_93, %add3A_92, %dma_wait3A_94] : memref<2x25x80xi32, #tpu.memory_space<vmem>> -> memref<1x1x80xi32, #tpu.memory_space<vmem>>
        %dma_wait3A_96 = tpu.memref_squeeze %dma_wait3A_95 : memref<1x1x80xi32, #tpu.memory_space<vmem>> -> memref<80xi32, #tpu.memory_space<vmem>>
        %dma_wait3A_97 = arith.constant 0 : i32
        %dma_wait3A_98 = arith.constant 0 : i32
        %dma_wait3A_99 = tpu.memref_slice %arg2[%dma_wait3A_97, %dma_wait3A_98] : memref<10000x128xf32, #tpu.memory_space<hbm>> -> memref<10000x128xf32, #tpu.memory_space<hbm>>
        tpu.wait_indirect_dma semaphore(%arg11 : memref<!tpu.dma_semaphore, #tpu.memory_space<semaphore_mem>>) src(%dma_wait3A_99 : memref<10000x128xf32, #tpu.memory_space<hbm>>) dst(%arg7 : memref<80x128xf32, #tpu.memory_space<vmem>>)
        %dma_start3A_100 = arith.constant 1 : i32
        %dma_start3A_101 = arith.constant 0 : i32
        %dma_start3A_102 = tpu.memref_slice %arg6[%dma_start3A_100, %add3A_92, %dma_start3A_101] : memref<2x25x80xi32, #tpu.memory_space<vmem>> -> memref<1x1x80xi32, #tpu.memory_space<vmem>>
        %dma_start3A_103 = tpu.memref_squeeze %dma_start3A_102 : memref<1x1x80xi32, #tpu.memory_space<vmem>> -> memref<80xi32, #tpu.memory_space<vmem>>
        %dma_start3A_104 = arith.constant 0 : i32
        %dma_start3A_105 = arith.constant 0 : i32
        %dma_start3A_106 = tpu.memref_slice %arg10[%dma_start3A_104, %dma_start3A_105] : memref<10000x128xf32, #tpu.memory_space<vmem_shared>> -> memref<10000x128xf32, #tpu.memory_space<vmem_shared>>
        tpu.enqueue_indirect_dma source(%arg7 : memref<80x128xf32, #tpu.memory_space<vmem>>) target(%dma_start3A_106 : memref<10000x128xf32, #tpu.memory_space<vmem_shared>>) offsets(%dma_start3A_103 : memref<80xi32, #tpu.memory_space<vmem>>) semaphore(%arg14 : memref<!tpu.dma_semaphore, #tpu.memory_space<semaphore_mem>>) {add = true}
        %add3A_107 = arith.constant 2 : i32
        %add3A_108 = arith.addi %add3A_92, %add3A_107 : i32
        %gt3A = arith.constant 0 : i32
        %gt3A_109 = arith.cmpi sgt, %add3A_92, %gt3A : i32
        %convert_element_type3A_110 = arith.extui %gt3A_109 : i1 to i32
        %cond3A_111 = arith.constant 0 : i32
        %cond3A_112 = arith.cmpi ne, %convert_element_type3A_110, %cond3A_111 : i32
        scf.if %cond3A_112 {
          %sub3A_173 = arith.constant 1 : i32
          %sub3A_174 = arith.subi %add3A_92, %sub3A_173 : i32
          %dma_wait3A_175 = arith.constant 1 : i32
          %dma_wait3A_176 = arith.constant 0 : i32
          %dma_wait3A_177 = tpu.memref_slice %arg6[%dma_wait3A_175, %sub3A_174, %dma_wait3A_176] : memref<2x25x80xi32, #tpu.memory_space<vmem>> -> memref<1x1x80xi32, #tpu.memory_space<vmem>>
          %dma_wait3A_178 = tpu.memref_squeeze %dma_wait3A_177 : memref<1x1x80xi32, #tpu.memory_space<vmem>> -> memref<80xi32, #tpu.memory_space<vmem>>
          %dma_wait3A_179 = arith.constant 0 : i32
          %dma_wait3A_180 = arith.constant 0 : i32
          %dma_wait3A_181 = tpu.memref_slice %arg10[%dma_wait3A_179, %dma_wait3A_180] : memref<10000x128xf32, #tpu.memory_space<vmem_shared>> -> memref<10000x128xf32, #tpu.memory_space<vmem_shared>>
          tpu.wait_indirect_dma semaphore(%arg16 : memref<!tpu.dma_semaphore, #tpu.memory_space<semaphore_mem>>) src(%arg9 : memref<80x128xf32, #tpu.memory_space<vmem>>) dst(%dma_wait3A_181 : memref<10000x128xf32, #tpu.memory_space<vmem_shared>>)
          %dma_start3A_182 = arith.constant 0 : i32
          %dma_start3A_183 = arith.constant 0 : i32
          %dma_start3A_184 = tpu.memref_slice %arg6[%dma_start3A_182, %add3A_108, %dma_start3A_183] : memref<2x25x80xi32, #tpu.memory_space<vmem>> -> memref<1x1x80xi32, #tpu.memory_space<vmem>>
          %dma_start3A_185 = tpu.memref_squeeze %dma_start3A_184 : memref<1x1x80xi32, #tpu.memory_space<vmem>> -> memref<80xi32, #tpu.memory_space<vmem>>
          %dma_start3A_186 = arith.constant 0 : i32
          %dma_start3A_187 = arith.constant 0 : i32
          %dma_start3A_188 = tpu.memref_slice %arg2[%dma_start3A_186, %dma_start3A_187] : memref<10000x128xf32, #tpu.memory_space<hbm>> -> memref<10000x128xf32, #tpu.memory_space<hbm>>
          tpu.enqueue_indirect_dma source(%dma_start3A_188 : memref<10000x128xf32, #tpu.memory_space<hbm>>) target(%arg9 : memref<80x128xf32, #tpu.memory_space<vmem>>) offsets(%dma_start3A_185 : memref<80xi32, #tpu.memory_space<vmem>>) semaphore(%arg13 : memref<!tpu.dma_semaphore, #tpu.memory_space<semaphore_mem>>)
        } else {
        }
        %mul3A_113 = arith.constant 3 : i32
        %mul3A_114 = arith.muli %mul3A_113, %scan3A_88 : i32
        %add3A_115 = arith.constant 1 : i32
        %add3A_116 = arith.addi %mul3A_114, %add3A_115 : i32
        %dma_wait3A_117 = arith.constant 0 : i32
        %dma_wait3A_118 = arith.constant 0 : i32
        %dma_wait3A_119 = tpu.memref_slice %arg6[%dma_wait3A_117, %add3A_116, %dma_wait3A_118] : memref<2x25x80xi32, #tpu.memory_space<vmem>> -> memref<1x1x80xi32, #tpu.memory_space<vmem>>
        %dma_wait3A_120 = tpu.memref_squeeze %dma_wait3A_119 : memref<1x1x80xi32, #tpu.memory_space<vmem>> -> memref<80xi32, #tpu.memory_space<vmem>>
        %dma_wait3A_121 = arith.constant 0 : i32
        %dma_wait3A_122 = arith.constant 0 : i32
        %dma_wait3A_123 = tpu.memref_slice %arg2[%dma_wait3A_121, %dma_wait3A_122] : memref<10000x128xf32, #tpu.memory_space<hbm>> -> memref<10000x128xf32, #tpu.memory_space<hbm>>
        tpu.wait_indirect_dma semaphore(%arg12 : memref<!tpu.dma_semaphore, #tpu.memory_space<semaphore_mem>>) src(%dma_wait3A_123 : memref<10000x128xf32, #tpu.memory_space<hbm>>) dst(%arg8 : memref<80x128xf32, #tpu.memory_space<vmem>>)
        %dma_start3A_124 = arith.constant 1 : i32
        %dma_start3A_125 = arith.constant 0 : i32
        %dma_start3A_126 = tpu.memref_slice %arg6[%dma_start3A_124, %add3A_116, %dma_start3A_125] : memref<2x25x80xi32, #tpu.memory_space<vmem>> -> memref<1x1x80xi32, #tpu.memory_space<vmem>>
        %dma_start3A_127 = tpu.memref_squeeze %dma_start3A_126 : memref<1x1x80xi32, #tpu.memory_space<vmem>> -> memref<80xi32, #tpu.memory_space<vmem>>
        %dma_start3A_128 = arith.constant 0 : i32
        %dma_start3A_129 = arith.constant 0 : i32
        %dma_start3A_130 = tpu.memref_slice %arg10[%dma_start3A_128, %dma_start3A_129] : memref<10000x128xf32, #tpu.memory_space<vmem_shared>> -> memref<10000x128xf32, #tpu.memory_space<vmem_shared>>
        tpu.enqueue_indirect_dma source(%arg8 : memref<80x128xf32, #tpu.memory_space<vmem>>) target(%dma_start3A_130 : memref<10000x128xf32, #tpu.memory_space<vmem_shared>>) offsets(%dma_start3A_127 : memref<80xi32, #tpu.memory_space<vmem>>) semaphore(%arg15 : memref<!tpu.dma_semaphore, #tpu.memory_space<semaphore_mem>>) {add = true}
        %add3A_131 = arith.constant 2 : i32
        %add3A_132 = arith.addi %add3A_116, %add3A_131 : i32
        %sub3A = arith.constant 1 : i32
        %sub3A_133 = arith.subi %add3A_116, %sub3A : i32
        %dma_wait3A_134 = arith.constant 1 : i32
        %dma_wait3A_135 = arith.constant 0 : i32
        %dma_wait3A_136 = tpu.memref_slice %arg6[%dma_wait3A_134, %sub3A_133, %dma_wait3A_135] : memref<2x25x80xi32, #tpu.memory_space<vmem>> -> memref<1x1x80xi32, #tpu.memory_space<vmem>>
        %dma_wait3A_137 = tpu.memref_squeeze %dma_wait3A_136 : memref<1x1x80xi32, #tpu.memory_space<vmem>> -> memref<80xi32, #tpu.memory_space<vmem>>
        %dma_wait3A_138 = arith.constant 0 : i32
        %dma_wait3A_139 = arith.constant 0 : i32
        %dma_wait3A_140 = tpu.memref_slice %arg10[%dma_wait3A_138, %dma_wait3A_139] : memref<10000x128xf32, #tpu.memory_space<vmem_shared>> -> memref<10000x128xf32, #tpu.memory_space<vmem_shared>>
        tpu.wait_indirect_dma semaphore(%arg14 : memref<!tpu.dma_semaphore, #tpu.memory_space<semaphore_mem>>) src(%arg7 : memref<80x128xf32, #tpu.memory_space<vmem>>) dst(%dma_wait3A_140 : memref<10000x128xf32, #tpu.memory_space<vmem_shared>>)
        %dma_start3A_141 = arith.constant 0 : i32
        %dma_start3A_142 = arith.constant 0 : i32
        %dma_start3A_143 = tpu.memref_slice %arg6[%dma_start3A_141, %add3A_132, %dma_start3A_142] : memref<2x25x80xi32, #tpu.memory_space<vmem>> -> memref<1x1x80xi32, #tpu.memory_space<vmem>>
        %dma_start3A_144 = tpu.memref_squeeze %dma_start3A_143 : memref<1x1x80xi32, #tpu.memory_space<vmem>> -> memref<80xi32, #tpu.memory_space<vmem>>
        %dma_start3A_145 = arith.constant 0 : i32
        %dma_start3A_146 = arith.constant 0 : i32
        %dma_start3A_147 = tpu.memref_slice %arg2[%dma_start3A_145, %dma_start3A_146] : memref<10000x128xf32, #tpu.memory_space<hbm>> -> memref<10000x128xf32, #tpu.memory_space<hbm>>
        tpu.enqueue_indirect_dma source(%dma_start3A_147 : memref<10000x128xf32, #tpu.memory_space<hbm>>) target(%arg7 : memref<80x128xf32, #tpu.memory_space<vmem>>) offsets(%dma_start3A_144 : memref<80xi32, #tpu.memory_space<vmem>>) semaphore(%arg11 : memref<!tpu.dma_semaphore, #tpu.memory_space<semaphore_mem>>)
        %mul3A_148 = arith.constant 3 : i32
        %mul3A_149 = arith.muli %mul3A_148, %scan3A_88 : i32
        %add3A_150 = arith.constant 2 : i32
        %add3A_151 = arith.addi %mul3A_149, %add3A_150 : i32
        %dma_wait3A_152 = arith.constant 0 : i32
        %dma_wait3A_153 = arith.constant 0 : i32
        %dma_wait3A_154 = tpu.memref_slice %arg6[%dma_wait3A_152, %add3A_151, %dma_wait3A_153] : memref<2x25x80xi32, #tpu.memory_space<vmem>> -> memref<1x1x80xi32, #tpu.memory_space<vmem>>
        %dma_wait3A_155 = tpu.memref_squeeze %dma_wait3A_154 : memref<1x1x80xi32, #tpu.memory_space<vmem>> -> memref<80xi32, #tpu.memory_space<vmem>>
        %dma_wait3A_156 = arith.constant 0 : i32
        %dma_wait3A_157 = arith.constant 0 : i32
        %dma_wait3A_158 = tpu.memref_slice %arg2[%dma_wait3A_156, %dma_wait3A_157] : memref<10000x128xf32, #tpu.memory_space<hbm>> -> memref<10000x128xf32, #tpu.memory_space<hbm>>
        tpu.wait_indirect_dma semaphore(%arg13 : memref<!tpu.dma_semaphore, #tpu.memory_space<semaphore_mem>>) src(%dma_wait3A_158 : memref<10000x128xf32, #tpu.memory_space<hbm>>) dst(%arg9 : memref<80x128xf32, #tpu.memory_space<vmem>>)
        %dma_start3A_159 = arith.constant 1 : i32
        %dma_start3A_160 = arith.constant 0 : i32
        %dma_start3A_161 = tpu.memref_slice %arg6[%dma_start3A_159, %add3A_151, %dma_start3A_160] : memref<2x25x80xi32, #tpu.memory_space<vmem>> -> memref<1x1x80xi32, #tpu.memory_space<vmem>>
        %dma_start3A_162 = tpu.memref_squeeze %dma_start3A_161 : memref<1x1x80xi32, #tpu.memory_space<vmem>> -> memref<80xi32, #tpu.memory_space<vmem>>
        %dma_start3A_163 = arith.constant 0 : i32
        %dma_start3A_164 = arith.constant 0 : i32
        %dma_start3A_165 = tpu.memref_slice %arg10[%dma_start3A_163, %dma_start3A_164] : memref<10000x128xf32, #tpu.memory_space<vmem_shared>> -> memref<10000x128xf32, #tpu.memory_space<vmem_shared>>
        tpu.enqueue_indirect_dma source(%arg9 : memref<80x128xf32, #tpu.memory_space<vmem>>) target(%dma_start3A_165 : memref<10000x128xf32, #tpu.memory_space<vmem_shared>>) offsets(%dma_start3A_162 : memref<80xi32, #tpu.memory_space<vmem>>) semaphore(%arg16 : memref<!tpu.dma_semaphore, #tpu.memory_space<semaphore_mem>>) {add = true}
        %add3A_166 = arith.constant 2 : i32
        %add3A_167 = arith.addi %add3A_151, %add3A_166 : i32
        %lt3A_168 = arith.constant 25 : i32
        %lt3A_169 = arith.cmpi slt, %add3A_167, %lt3A_168 : i32
        %convert_element_type3A_170 = arith.extui %lt3A_169 : i1 to i32
        %cond3A_171 = arith.constant 0 : i32
        %cond3A_172 = arith.cmpi ne, %convert_element_type3A_170, %cond3A_171 : i32
        scf.if %cond3A_172 {
          %sub3A_173 = arith.constant 1 : i32
          %sub3A_174 = arith.subi %add3A_151, %sub3A_173 : i32
          %dma_wait3A_175 = arith.constant 1 : i32
          %dma_wait3A_176 = arith.constant 0 : i32
          %dma_wait3A_177 = tpu.memref_slice %arg6[%dma_wait3A_175, %sub3A_174, %dma_wait3A_176] : memref<2x25x80xi32, #tpu.memory_space<vmem>> -> memref<1x1x80xi32, #tpu.memory_space<vmem>>
          %dma_wait3A_178 = tpu.memref_squeeze %dma_wait3A_177 : memref<1x1x80xi32, #tpu.memory_space<vmem>> -> memref<80xi32, #tpu.memory_space<vmem>>
          %dma_wait3A_179 = arith.constant 0 : i32
          %dma_wait3A_180 = arith.constant 0 : i32
          %dma_wait3A_181 = tpu.memref_slice %arg10[%dma_wait3A_179, %dma_wait3A_180] : memref<10000x128xf32, #tpu.memory_space<vmem_shared>> -> memref<10000x128xf32, #tpu.memory_space<vmem_shared>>
          tpu.wait_indirect_dma semaphore(%arg15 : memref<!tpu.dma_semaphore, #tpu.memory_space<semaphore_mem>>) src(%arg8 : memref<80x128xf32, #tpu.memory_space<vmem>>) dst(%dma_wait3A_181 : memref<10000x128xf32, #tpu.memory_space<vmem_shared>>)
          %dma_start3A_182 = arith.constant 0 : i32
          %dma_start3A_183 = arith.constant 0 : i32
          %dma_start3A_184 = tpu.memref_slice %arg6[%dma_start3A_182, %add3A_167, %dma_start3A_183] : memref<2x25x80xi32, #tpu.memory_space<vmem>> -> memref<1x1x80xi32, #tpu.memory_space<vmem>>
          %dma_start3A_185 = tpu.memref_squeeze %dma_start3A_184 : memref<1x1x80xi32, #tpu.memory_space<vmem>> -> memref<80xi32, #tpu.memory_space<vmem>>
          %dma_start3A_186 = arith.constant 0 : i32
          %dma_start3A_187 = arith.constant 0 : i32
          %dma_start3A_188 = tpu.memref_slice %arg2[%dma_start3A_186, %dma_start3A_187] : memref<10000x128xf32, #tpu.memory_space<hbm>> -> memref<10000x128xf32, #tpu.memory_space<hbm>>
          tpu.enqueue_indirect_dma source(%dma_start3A_188 : memref<10000x128xf32, #tpu.memory_space<hbm>>) target(%arg8 : memref<80x128xf32, #tpu.memory_space<vmem>>) offsets(%dma_start3A_185 : memref<80xi32, #tpu.memory_space<vmem>>) semaphore(%arg12 : memref<!tpu.dma_semaphore, #tpu.memory_space<semaphore_mem>>)
        } else {
        }
      }
      %scan3A_44 = arith.constant 8 : i32
      %dma_wait3A = arith.constant 0 : i32
      %dma_wait3A_45 = arith.constant 24 : i32
      %dma_wait3A_46 = arith.constant 0 : i32
      %dma_wait3A_47 = tpu.memref_slice %arg6[%dma_wait3A, %dma_wait3A_45, %dma_wait3A_46] : memref<2x25x80xi32, #tpu.memory_space<vmem>> -> memref<1x1x80xi32, #tpu.memory_space<vmem>>
      %dma_wait3A_48 = tpu.memref_squeeze %dma_wait3A_47 : memref<1x1x80xi32, #tpu.memory_space<vmem>> -> memref<80xi32, #tpu.memory_space<vmem>>
      %dma_wait3A_49 = arith.constant 0 : i32
      %dma_wait3A_50 = arith.constant 0 : i32
      %dma_wait3A_51 = tpu.memref_slice %arg2[%dma_wait3A_49, %dma_wait3A_50] : memref<10000x128xf32, #tpu.memory_space<hbm>> -> memref<10000x128xf32, #tpu.memory_space<hbm>>
      tpu.wait_indirect_dma semaphore(%arg11 : memref<!tpu.dma_semaphore, #tpu.memory_space<semaphore_mem>>) src(%dma_wait3A_51 : memref<10000x128xf32, #tpu.memory_space<hbm>>) dst(%arg7 : memref<80x128xf32, #tpu.memory_space<vmem>>)
      %dma_start3A_52 = arith.constant 1 : i32
      %dma_start3A_53 = arith.constant 24 : i32
      %dma_start3A_54 = arith.constant 0 : i32
      %dma_start3A_55 = tpu.memref_slice %arg6[%dma_start3A_52, %dma_start3A_53, %dma_start3A_54] : memref<2x25x80xi32, #tpu.memory_space<vmem>> -> memref<1x1x80xi32, #tpu.memory_space<vmem>>
      %dma_start3A_56 = tpu.memref_squeeze %dma_start3A_55 : memref<1x1x80xi32, #tpu.memory_space<vmem>> -> memref<80xi32, #tpu.memory_space<vmem>>
      %dma_start3A_57 = arith.constant 0 : i32
      %dma_start3A_58 = arith.constant 0 : i32
      %dma_start3A_59 = tpu.memref_slice %arg10[%dma_start3A_57, %dma_start3A_58] : memref<10000x128xf32, #tpu.memory_space<vmem_shared>> -> memref<10000x128xf32, #tpu.memory_space<vmem_shared>>
      tpu.enqueue_indirect_dma source(%arg7 : memref<80x128xf32, #tpu.memory_space<vmem>>) target(%dma_start3A_59 : memref<10000x128xf32, #tpu.memory_space<vmem_shared>>) offsets(%dma_start3A_56 : memref<80xi32, #tpu.memory_space<vmem>>) semaphore(%arg14 : memref<!tpu.dma_semaphore, #tpu.memory_space<semaphore_mem>>) {add = true}
      %dma_wait3A_60 = arith.constant 1 : i32
      %dma_wait3A_61 = arith.constant 22 : i32
      %dma_wait3A_62 = arith.constant 0 : i32
      %dma_wait3A_63 = tpu.memref_slice %arg6[%dma_wait3A_60, %dma_wait3A_61, %dma_wait3A_62] : memref<2x25x80xi32, #tpu.memory_space<vmem>> -> memref<1x1x80xi32, #tpu.memory_space<vmem>>
      %dma_wait3A_64 = tpu.memref_squeeze %dma_wait3A_63 : memref<1x1x80xi32, #tpu.memory_space<vmem>> -> memref<80xi32, #tpu.memory_space<vmem>>
      %dma_wait3A_65 = arith.constant 0 : i32
      %dma_wait3A_66 = arith.constant 0 : i32
      %dma_wait3A_67 = tpu.memref_slice %arg10[%dma_wait3A_65, %dma_wait3A_66] : memref<10000x128xf32, #tpu.memory_space<vmem_shared>> -> memref<10000x128xf32, #tpu.memory_space<vmem_shared>>
      tpu.wait_indirect_dma semaphore(%arg15 : memref<!tpu.dma_semaphore, #tpu.memory_space<semaphore_mem>>) src(%arg8 : memref<80x128xf32, #tpu.memory_space<vmem>>) dst(%dma_wait3A_67 : memref<10000x128xf32, #tpu.memory_space<vmem_shared>>)
      %dma_wait3A_68 = arith.constant 1 : i32
      %dma_wait3A_69 = arith.constant 23 : i32
      %dma_wait3A_70 = arith.constant 0 : i32
      %dma_wait3A_71 = tpu.memref_slice %arg6[%dma_wait3A_68, %dma_wait3A_69, %dma_wait3A_70] : memref<2x25x80xi32, #tpu.memory_space<vmem>> -> memref<1x1x80xi32, #tpu.memory_space<vmem>>
      %dma_wait3A_72 = tpu.memref_squeeze %dma_wait3A_71 : memref<1x1x80xi32, #tpu.memory_space<vmem>> -> memref<80xi32, #tpu.memory_space<vmem>>
      %dma_wait3A_73 = arith.constant 0 : i32
      %dma_wait3A_74 = arith.constant 0 : i32
      %dma_wait3A_75 = tpu.memref_slice %arg10[%dma_wait3A_73, %dma_wait3A_74] : memref<10000x128xf32, #tpu.memory_space<vmem_shared>> -> memref<10000x128xf32, #tpu.memory_space<vmem_shared>>
      tpu.wait_indirect_dma semaphore(%arg16 : memref<!tpu.dma_semaphore, #tpu.memory_space<semaphore_mem>>) src(%arg9 : memref<80x128xf32, #tpu.memory_space<vmem>>) dst(%dma_wait3A_75 : memref<10000x128xf32, #tpu.memory_space<vmem_shared>>)
      %dma_wait3A_76 = arith.constant 1 : i32
      %dma_wait3A_77 = arith.constant 24 : i32
      %dma_wait3A_78 = arith.constant 0 : i32
      %dma_wait3A_79 = tpu.memref_slice %arg6[%dma_wait3A_76, %dma_wait3A_77, %dma_wait3A_78] : memref<2x25x80xi32, #tpu.memory_space<vmem>> -> memref<1x1x80xi32, #tpu.memory_space<vmem>>
      %dma_wait3A_80 = tpu.memref_squeeze %dma_wait3A_79 : memref<1x1x80xi32, #tpu.memory_space<vmem>> -> memref<80xi32, #tpu.memory_space<vmem>>
      %dma_wait3A_81 = arith.constant 0 : i32
      %dma_wait3A_82 = arith.constant 0 : i32
      %dma_wait3A_83 = tpu.memref_slice %arg10[%dma_wait3A_81, %dma_wait3A_82] : memref<10000x128xf32, #tpu.memory_space<vmem_shared>> -> memref<10000x128xf32, #tpu.memory_space<vmem_shared>>
      tpu.wait_indirect_dma semaphore(%arg14 : memref<!tpu.dma_semaphore, #tpu.memory_space<semaphore_mem>>) src(%arg7 : memref<80x128xf32, #tpu.memory_space<vmem>>) dst(%dma_wait3A_83 : memref<10000x128xf32, #tpu.memory_space<vmem_shared>>)
      %add3A_84 = arith.constant 1 : i32
      %add3A_85 = arith.addi %scan3A_39, %add3A_84 : i32
      %lt3A = arith.constant 5 : i32
      %lt3A_86 = arith.cmpi slt, %add3A_85, %lt3A : i32
      %convert_element_type3A = arith.extui %lt3A_86 : i1 to i32
      %cond3A = arith.constant 0 : i32
      %cond3A_87 = arith.cmpi ne, %convert_element_type3A, %cond3A : i32
      scf.if %cond3A_87 {
        %add3A_88 = arith.constant 1 : i32
        %add3A_89 = arith.addi %scan3A_39, %add3A_88 : i32
        "tpu.region"() ({
          %run_scoped3A_114 = tpu.sem_alloc : memref<!tpu.dma_semaphore, #tpu.memory_space<semaphore_mem>>
          %dma_start3A_115 = arith.constant 0 : i32
          %dma_start3A_116 = arith.constant 0 : i32
          %dma_start3A_117 = arith.constant 0 : i32
          %dma_start3A_118 = tpu.memref_slice %arg3[%add3A, %add3A_89, %dma_start3A_115, %dma_start3A_116, %dma_start3A_117] : memref<32x5x2x25x80xi32, #tpu.memory_space<hbm>> -> memref<1x1x2x25x80xi32, #tpu.memory_space<hbm>>
          %dma_start3A_119 = tpu.memref_squeeze %dma_start3A_118 : memref<1x1x2x25x80xi32, #tpu.memory_space<hbm>> -> memref<2x25x80xi32, #tpu.memory_space<hbm>>
          %dma_start3A_120 = arith.constant 0 : i32
          %dma_start3A_121 = arith.constant 0 : i32
          %dma_start3A_122 = arith.constant 0 : i32
          %dma_start3A_123 = tpu.memref_slice %arg3[%add3A, %add3A_89, %dma_start3A_120, %dma_start3A_121, %dma_start3A_122] : memref<32x5x2x25x80xi32, #tpu.memory_space<hbm>> -> memref<1x1x2x25x80xi32, #tpu.memory_space<hbm>>
          %dma_start3A_124 = tpu.memref_squeeze %dma_start3A_123 : memref<1x1x2x25x80xi32, #tpu.memory_space<hbm>> -> memref<2x25x80xi32, #tpu.memory_space<hbm>>
          tpu.enqueue_dma source(%dma_start3A_124 : memref<2x25x80xi32, #tpu.memory_space<hbm>>) target(%arg6 : memref<2x25x80xi32, #tpu.memory_space<vmem>>) target_semaphore(%run_scoped3A_114 : memref<!tpu.dma_semaphore, #tpu.memory_space<semaphore_mem>>)
          %dma_wait3A_125 = arith.constant 0 : i32
          %dma_wait3A_126 = arith.constant 0 : i32
          %dma_wait3A_127 = arith.constant 0 : i32
          %dma_wait3A_128 = tpu.memref_slice %arg3[%add3A, %add3A_89, %dma_wait3A_125, %dma_wait3A_126, %dma_wait3A_127] : memref<32x5x2x25x80xi32, #tpu.memory_space<hbm>> -> memref<1x1x2x25x80xi32, #tpu.memory_space<hbm>>
          %dma_wait3A_129 = tpu.memref_squeeze %dma_wait3A_128 : memref<1x1x2x25x80xi32, #tpu.memory_space<hbm>> -> memref<2x25x80xi32, #tpu.memory_space<hbm>>
          %dma_wait3A_130 = arith.constant 0 : i32
          %dma_wait3A_131 = arith.constant 0 : i32
          %dma_wait3A_132 = arith.constant 0 : i32
          %dma_wait3A_133 = tpu.memref_slice %arg3[%add3A, %add3A_89, %dma_wait3A_130, %dma_wait3A_131, %dma_wait3A_132] : memref<32x5x2x25x80xi32, #tpu.memory_space<hbm>> -> memref<1x1x2x25x80xi32, #tpu.memory_space<hbm>>
          %dma_wait3A_134 = tpu.memref_squeeze %dma_wait3A_133 : memref<1x1x2x25x80xi32, #tpu.memory_space<hbm>> -> memref<2x25x80xi32, #tpu.memory_space<hbm>>
          tpu.wait_dma2 semaphore(%run_scoped3A_114 : memref<!tpu.dma_semaphore, #tpu.memory_space<semaphore_mem>>) src(%dma_wait3A_134 : memref<2x25x80xi32, #tpu.memory_space<hbm>>) dst(%arg6 : memref<2x25x80xi32, #tpu.memory_space<vmem>>)
          tpu.yield
        }) : () -> ()
        %dma_start3A_90 = arith.constant 0 : i32
        %dma_start3A_91 = arith.constant 0 : i32
        %dma_start3A_92 = arith.constant 0 : i32
        %dma_start3A_93 = tpu.memref_slice %arg6[%dma_start3A_90, %dma_start3A_91, %dma_start3A_92] : memref<2x25x80xi32, #tpu.memory_space<vmem>> -> memref<1x1x80xi32, #tpu.memory_space<vmem>>
        %dma_start3A_94 = tpu.memref_squeeze %dma_start3A_93 : memref<1x1x80xi32, #tpu.memory_space<vmem>> -> memref<80xi32, #tpu.memory_space<vmem>>
        %dma_start3A_95 = arith.constant 0 : i32
        %dma_start3A_96 = arith.constant 0 : i32
        %dma_start3A_97 = tpu.memref_slice %arg2[%dma_start3A_95, %dma_start3A_96] : memref<10000x128xf32, #tpu.memory_space<hbm>> -> memref<10000x128xf32, #tpu.memory_space<hbm>>
        tpu.enqueue_indirect_dma source(%dma_start3A_97 : memref<10000x128xf32, #tpu.memory_space<hbm>>) target(%arg7 : memref<80x128xf32, #tpu.memory_space<vmem>>) offsets(%dma_start3A_94 : memref<80xi32, #tpu.memory_space<vmem>>) semaphore(%arg11 : memref<!tpu.dma_semaphore, #tpu.memory_space<semaphore_mem>>)
        %dma_start3A_98 = arith.constant 0 : i32
        %dma_start3A_99 = arith.constant 1 : i32
        %dma_start3A_100 = arith.constant 0 : i32
        %dma_start3A_101 = tpu.memref_slice %arg6[%dma_start3A_98, %dma_start3A_99, %dma_start3A_100] : memref<2x25x80xi32, #tpu.memory_space<vmem>> -> memref<1x1x80xi32, #tpu.memory_space<vmem>>
        %dma_start3A_102 = tpu.memref_squeeze %dma_start3A_101 : memref<1x1x80xi32, #tpu.memory_space<vmem>> -> memref<80xi32, #tpu.memory_space<vmem>>
        %dma_start3A_103 = arith.constant 0 : i32
        %dma_start3A_104 = arith.constant 0 : i32
        %dma_start3A_105 = tpu.memref_slice %arg2[%dma_start3A_103, %dma_start3A_104] : memref<10000x128xf32, #tpu.memory_space<hbm>> -> memref<10000x128xf32, #tpu.memory_space<hbm>>
        tpu.enqueue_indirect_dma source(%dma_start3A_105 : memref<10000x128xf32, #tpu.memory_space<hbm>>) target(%arg8 : memref<80x128xf32, #tpu.memory_space<vmem>>) offsets(%dma_start3A_102 : memref<80xi32, #tpu.memory_space<vmem>>) semaphore(%arg12 : memref<!tpu.dma_semaphore, #tpu.memory_space<semaphore_mem>>)
        %dma_start3A_106 = arith.constant 0 : i32
        %dma_start3A_107 = arith.constant 2 : i32
        %dma_start3A_108 = arith.constant 0 : i32
        %dma_start3A_109 = tpu.memref_slice %arg6[%dma_start3A_106, %dma_start3A_107, %dma_start3A_108] : memref<2x25x80xi32, #tpu.memory_space<vmem>> -> memref<1x1x80xi32, #tpu.memory_space<vmem>>
        %dma_start3A_110 = tpu.memref_squeeze %dma_start3A_109 : memref<1x1x80xi32, #tpu.memory_space<vmem>> -> memref<80xi32, #tpu.memory_space<vmem>>
        %dma_start3A_111 = arith.constant 0 : i32
        %dma_start3A_112 = arith.constant 0 : i32
        %dma_start3A_113 = tpu.memref_slice %arg2[%dma_start3A_111, %dma_start3A_112] : memref<10000x128xf32, #tpu.memory_space<hbm>> -> memref<10000x128xf32, #tpu.memory_space<hbm>>
        tpu.enqueue_indirect_dma source(%dma_start3A_113 : memref<10000x128xf32, #tpu.memory_space<hbm>>) target(%arg9 : memref<80x128xf32, #tpu.memory_space<vmem>>) offsets(%dma_start3A_110 : memref<80xi32, #tpu.memory_space<vmem>>) semaphore(%arg13 : memref<!tpu.dma_semaphore, #tpu.memory_space<semaphore_mem>>)
      } else {
      }
    }
    %scan3A_32 = arith.constant 5 : i32
    %barrier3A_33 = arith.constant 0 : index
    tpu.barrier barrier_id(%barrier3A_33)
    %scan3A_34 = arith.constant 0 : i32
    %scan3A_35 = arith.constant 8 : i32
    %scan3A_36 = arith.addi %scan3A_34, %scan3A_35 : i32
    %scan3A_37 = arith.constant 1 : i32
    scf.for %scan3A_39 = %scan3A_34 to %scan3A_36 step %scan3A_37  : i32 {
      %mul3A_40 = arith.constant 16 : i32
      %mul3A_41 = arith.muli %scan3A_39, %mul3A_40 : i32
      %add3A_42 = arith.addi %mul3A_41, %arg1 : i32
      %lt3A = arith.constant 125 : i32
      %lt3A_43 = arith.cmpi slt, %add3A_42, %lt3A : i32
      %convert_element_type3A = arith.extui %lt3A_43 : i1 to i32
      %cond3A = arith.constant 0 : i32
      %cond3A_44 = arith.cmpi ne, %convert_element_type3A, %cond3A : i32
      scf.if %cond3A_44 {
        %mul3A_45 = arith.constant 80 : i32
        %mul3A_46 = arith.muli %add3A_42, %mul3A_45 : i32
        %mul3A_47 = arith.constant 80 : i32
        %mul3A_48 = arith.muli %add3A_42, %mul3A_47 : i32
        "tpu.region"() ({
          %run_scoped3A_49 = tpu.sem_alloc : memref<!tpu.dma_semaphore, #tpu.memory_space<semaphore_mem>>
          %dma_start3A_50 = arith.constant 0 : i32
          %dma_start3A_51 = tpu.memref_slice %arg5[%arg0, %mul3A_48, %dma_start3A_50] : memref<2x10000x128xf32, #tpu.memory_space<hbm>> -> memref<1x80x128xf32, #tpu.memory_space<hbm>>
          %dma_start3A_52 = tpu.memref_squeeze %dma_start3A_51 : memref<1x80x128xf32, #tpu.memory_space<hbm>> -> memref<80x128xf32, #tpu.memory_space<hbm>>
          %dma_start3A_53 = arith.constant 0 : i32
          %dma_start3A_54 = tpu.memref_slice %arg10[%mul3A_46, %dma_start3A_53] : memref<10000x128xf32, #tpu.memory_space<vmem_shared>> -> memref<80x128xf32, #tpu.memory_space<vmem_shared>>
          tpu.enqueue_dma source(%dma_start3A_54 : memref<80x128xf32, #tpu.memory_space<vmem_shared>>) target(%dma_start3A_52 : memref<80x128xf32, #tpu.memory_space<hbm>>) target_semaphore(%run_scoped3A_49 : memref<!tpu.dma_semaphore, #tpu.memory_space<semaphore_mem>>)
          %dma_wait3A = arith.constant 0 : i32
          %dma_wait3A_55 = tpu.memref_slice %arg5[%arg0, %mul3A_48, %dma_wait3A] : memref<2x10000x128xf32, #tpu.memory_space<hbm>> -> memref<1x80x128xf32, #tpu.memory_space<hbm>>
          %dma_wait3A_56 = tpu.memref_squeeze %dma_wait3A_55 : memref<1x80x128xf32, #tpu.memory_space<hbm>> -> memref<80x128xf32, #tpu.memory_space<hbm>>
          %dma_wait3A_57 = arith.constant 0 : i32
          %dma_wait3A_58 = tpu.memref_slice %arg10[%mul3A_46, %dma_wait3A_57] : memref<10000x128xf32, #tpu.memory_space<vmem_shared>> -> memref<80x128xf32, #tpu.memory_space<vmem_shared>>
          tpu.wait_dma2 semaphore(%run_scoped3A_49 : memref<!tpu.dma_semaphore, #tpu.memory_space<semaphore_mem>>) src(%dma_wait3A_58 : memref<80x128xf32, #tpu.memory_space<vmem_shared>>) dst(%dma_wait3A_56 : memref<80x128xf32, #tpu.memory_space<hbm>>)
          tpu.yield
        }) : () -> ()
      } else {
      }
    }
    %scan3A_38 = arith.constant 8 : i32
    return
  }
}

</mosaic_0001>

<sc_bundles>
// kernel: _sc_agg.3.cloned.1.call-start
scs
__scs_entry_jumppad:
0x0: {  	(pc) =	sbr.rel $0x88, $3  }
0x1: {  	(tag) =	ssettag $0x0;
	lr =	simm.s32 $0x1  }
0x2: {  	[smem:$0x3F9E] =	sst lr;
	_ =	strace $0xD0000000  }
0x3: {  	_ = 	snop  }
0x4: {  	_ = 	snop  }
0x5: {  	_ = 	snop  }
0x6: {  	_ = 	snop  }
0x7: {  	_ = 	snop  }
__scs_overlays_trampoline_lowered:
0x8: {  	[smem:$0x3FAD] =	sst s0  }
0x9: {  	[smem:$0x3FAE] =	sst s1  }
0xa: {  	[smem:$0x3FAF] =	sst s2  }
0xb: {  	[smem:$0x3FB0] =	sst s3  }
0xc: {  	[smem:$0x3FB1] =	sst s4  }
0xd: {  	[smem:$0x3FB2] =	sst s5  }
0xe: {  	[smem:$0x3FB3] =	sst s6  }
0xf: {  	[smem:$0x3FB4] =	sst s7  }
0x10: {  	[smem:$0x3FB5] =	sst s8  }
0x11: {  	[smem:$0x3FB6] =	sst s9;
	s0 =	simm.s32 @!p0 $0x0  }
0x12: {  	s1 =	sld [smem:$0x3F9C];
	s0 =	simm.s32 @p0 $0x1  }
0x13: {  	[smem:$0x3FB7] =	sst s0;
	s0 =	simm.s32 @!p1 $0x0  }
0x14: {  	s2 =	sld [smem:$0x3F9B];
	s0 =	simm.s32 @p1 $0x1  }
0x15: {  	[smem:$0x3FB8] =	sst s0;
	s0 =	simm.s32 @!p2 $0x0  }
0x16: {  	s3 =	sld [smem:$0x3FDB];
	s0 =	simm.s32 @p2 $0x1  }
0x17: {  	s4 =	simm.s32 $0x1BF5;
	[smem:$0x3FBA] =	sst s0  }
0x18: {  	s0 =	sld [smem:$0x3F9D];
	_ =	swait.ge [sflag:s4], $0x0  }
0x19: {  	s7 =	sld [smem:$0x3F9E]  }
0x1a: {  	s8 =	sadd.s32 $0xFFFFE003, lr  }
0x1b: {  	s9 =	sadd.s32 $0xFFFFFEF7, lr;
	s5 =	simm.s32 $0xFFFFFFFF;
	p2 =	slt.u32 s8, $0xFFFFF086  }
0x1c: {  	p1 =	slt.u32 s9, $0xF7A;
	s5 =	simm.s32 @!p2 $0x0  }
0x1d: {  	s5 =	simm.s32 @p1 $0x1;
	p0 =	seq.s32 s7, s2  }
0x1e: {  	s7 =	smul.u32 @!p0 $0xF7A, s2;
	p2 =	seq.s32 @!p0 s5, $0x0  }
0x1f: {  	s9 =	smul.u32 $0xF7A, s1;
	s8 =	simm.s32 @!p0 $0x1BF5;
	p2 =	por !p2, p0  }
0x20: {  	[sflag:s8] =	ssyncset.s32 @!p0 $0xFFFFF086;
	s6 =	sadd.s32 @!p0 s3, s7;
	s7 =	simm.s32 @!p0 $0x108  }
0x21: {  	s3 =	sadd.s32 s3, s9;
	s6 =	sadd.s32 @!p0 $0x88, s6;
	s7 =	simm.s32 @p2 $0x1082  }
0x22: {  	[simem:s7], [sflag:s8] =	dma.local @!p0 [hbm:s6], $0xF7A  }
0x23: {  	s9 =	sor.u32 $0xD0000000, s2;
	s6 =	simm.s32 $0x108;
	_ =	swait.ge @!p0 [sflag:s8], $0x0  }
0x24: {  	s3 =	sadd.s32 $0x88, s3;
	s6 =	simm.s32 @!p1 $0x1082;
	[sflag:s4] =	ssyncset.s32 $0xFFFFF086  }
0x25: {  	[simem:s6], [sflag:s4] =	dma.local [hbm:s3], $0xF7A  }
0x26: {  	[smem:$0x3F9E] =	sst s1;
	(tag) =	ssettag s2;
	_ =	strace s9  }
0x27: {  	s1 =	sld [smem:$0x3FAE]  }
0x28: {  	s2 =	sld [smem:$0x3FAF]  }
0x29: {  	s4 =	sld [smem:$0x3FB1]  }
0x2a: {  	p0 =	seq.s32 s5, $0x0;
	s5 =	sld [smem:$0x3FB2]  }
0x2b: {  	s6 =	sld [smem:$0x3FB3]  }
0x2c: {  	s7 =	sld [smem:$0x3FB4]  }
0x2d: {  	s3 =	simm.s32 $0x108;
	s8 =	sld [smem:$0x3FB5]  }
0x2e: {  	s3 =	simm.s32 @!p0 $0x1082;
	s9 =	sld [smem:$0x3FB6]  }
0x2f: {  	lr =	sadd.s32 s0, s3;
	s0 =	sld [smem:$0x3FAD]  }
0x30: {  	s3 =	sld [smem:$0x3FB0]  }
0x31: {  	[smem:$0x3FB9] =	sst s10  }
0x32: {  	s10 =	sld [smem:$0x3FB7];
	_ =	sdelay $0x3  }
0x33: {  	p0 =	seq.s32 s10, $0x1;
	s10 =	sld [smem:$0x3FB9];
	_ =	sdelay $0x3  }
0x34: {  	[smem:$0x3FB9] =	sst s10  }
0x35: {  	s10 =	sld [smem:$0x3FB8];
	_ =	sdelay $0x3  }
0x36: {  	p1 =	seq.s32 s10, $0x1;
	s10 =	sld [smem:$0x3FB9];
	_ =	sdelay $0x3  }
0x37: {  	[smem:$0x3FB9] =	sst s10  }
0x38: {  	s10 =	sld [smem:$0x3FBA]  }
0x39: {  	_ = 	snop;
	(pc) =	sbr.ind lr, $3  }
0x3a: {  	_ = 	snop  }
0x3b: {  	_ = 	snop  }
0x3c: {  	p2 =	seq.s32 s10, $0x1;
	s10 =	sld [smem:$0x3FB9]  }
0x3d: {  	_ =	shalt  }
0x3e: {  	_ =	shalt  }
0x3f: {  	_ =	shalt  }
0x40: {  	_ =	shalt  }
0x41: {  	_ =	shalt  }
0x42: {  	_ =	shalt  }
0x43: {  	_ =	shalt  }
0x44: {  	_ =	shalt  }
0x45: {  	_ =	shalt  }
0x46: {  	_ =	shalt  }
0x47: {  	_ =	shalt  }
0x48: {  	_ =	shalt  }
0x49: {  	_ =	shalt  }
0x4a: {  	_ =	shalt  }
0x4b: {  	_ =	shalt  }
0x4c: {  	_ =	shalt  }
0x4d: {  	_ =	shalt  }
0x4e: {  	_ =	shalt  }
0x4f: {  	_ =	shalt  }
0x50: {  	_ =	shalt  }
0x51: {  	_ =	shalt  }
0x52: {  	_ =	shalt  }
0x53: {  	_ =	shalt  }
0x54: {  	_ =	shalt  }
0x55: {  	_ =	shalt  }
0x56: {  	_ =	shalt  }
0x57: {  	_ =	shalt  }
0x58: {  	_ =	shalt  }
0x59: {  	_ =	shalt  }
0x5a: {  	_ =	shalt  }
0x5b: {  	_ =	shalt  }
0x5c: {  	_ =	shalt  }
0x5d: {  	_ =	shalt  }
0x5e: {  	_ =	shalt  }
0x5f: {  	_ =	shalt  }
0x60: {  	_ =	shalt  }
0x61: {  	_ =	shalt  }
0x62: {  	_ =	shalt  }
0x63: {  	_ =	shalt  }
0x64: {  	_ =	shalt  }
0x65: {  	_ =	shalt  }
0x66: {  	_ =	shalt  }
0x67: {  	_ =	shalt  }
0x68: {  	_ =	shalt  }
0x69: {  	_ =	shalt  }
0x6a: {  	_ =	shalt  }
0x6b: {  	_ =	shalt  }
0x6c: {  	_ =	shalt  }
0x6d: {  	_ =	shalt  }
0x6e: {  	_ =	shalt  }
0x6f: {  	_ =	shalt  }
0x70: {  	_ =	shalt  }
0x71: {  	_ =	shalt  }
0x72: {  	_ =	shalt  }
0x73: {  	_ =	shalt  }
0x74: {  	_ =	shalt  }
0x75: {  	_ =	shalt  }
0x76: {  	_ =	shalt  }
0x77: {  	_ =	shalt  }
0x78: {  	_ =	shalt  }
0x79: {  	_ =	shalt  }
0x7a: {  	_ =	shalt  }
0x7b: {  	_ =	shalt  }
0x7c: {  	_ =	shalt  }
0x7d: {  	_ =	shalt  }
0x7e: {  	_ =	shalt  }
0x7f: {  	_ =	shalt  }
0x80: {  	_ =	shalt  }
0x81: {  	_ =	shalt  }
0x82: {  	_ =	shalt  }
0x83: {  	_ =	shalt  }
0x84: {  	_ =	shalt  }
0x85: {  	_ =	shalt  }
0x86: {  	_ =	shalt  }
0x87: {  	_ =	shalt  }
.Lfunc_end0:
.L_simem_size_0:
called_computation_lowered:
.L_overlay_start_0:
0x88: {  	s2 =	sld [smem:$0x3FD9]  }
0x89: {  	s3 =	sld [smem:$0x3FFE];
	_ =	sdelay $0x1  }
0x8a: {  	s1 =	srdreg.scid  }
0x8b: {  	s0 =	sand.u32 $0x1, s1  }
0x8c: {  	s17 =	sshll.u32 s0, $0xA;
	s2 =	sadd.s32 s3, s2  }
0x8d: {  	s2 =	sadd.s32 s2, s17  }
0x8e: {  	[smem:$0x3FC5] =	sst s2  }
0x8f: {  	_ = 	snop  }
0x90: {  	s2 =	sld [smem:$0x3FC9]  }
0x91: {  	s18 =	sld [smem:$0x3FC7]  }
0x92: {  	s4 =	sld [smem:$0x3FD0];
	(tm) =	ssettm $0x1  }
0x93: {  	s5 =	sld [smem:$0x3FFB];
	_ =	sdelay $0x3  }
0x94: {  	_ =	strace s5  }
0x95: {  	s5 =	sld [smem:$0x3FFC];
	_ =	sdelay $0x3  }
0x96: {  	_ =	strace s5  }
0x97: {  	s5 =	sld [smem:$0x3FFD];
	_ =	sdelay $0x3  }
0x98: {  	_ =	strace s5  }
0x99: {  	_ =	strace $0x8FFFFFFF  }
0x9a: {  	s19 =	sld [smem:$0x3FDB];
	_ =	sdelay $0x1  }
0x9b: {  	s6 =	simm.s32 $_scs_section_size  }
0x9c: {  	s7 =	simm.s32 $_size__tile_overlayer_lowered;
	s8 =	simm.s32 $_tile_overlayer_lowered  }
0x9d: {  	s22 =	simm.s32 $0x1BFF;
	s21 =	sshll.u32 s8, $0x1;
	s5 =	sadd.s32 s6, s19  }
0x9e: {  	s9 =	simm.s32 $0x0;
	s20 =	sshll.u32 s7, $0x1;
	s7 =	sadd.s32 s21, s5  }
0x9f: {  	[timem:s9], [sflag:s22] =	dma.local [hbm:s7], s20  }
0xa0: {  	_ =	swait.ge [sflag:s22], s20  }
0xa1: {  	s6 =	ssub.s32 $0x0, s20;
	[sflag:s22] =	ssyncset.done $0x0  }
0xa2: {  	[sflag:s22] =	ssyncadd.s32 s6;
	_ =	sdelay $0x1  }
0xa3: {  	s23 =	simm.s32 $0x1B8B  }
0xa4: {  	_ =	swait.ge [sflag:s23], $0x1  }
0xa5: {  	[sflag:s23] =	ssyncset.done $0x0  }
0xa6: {  	s25 =	simm.s32 $0x1B8E;
	s24 =	sld [smem:$0x3FFE];
	[sflag:s23] =	ssyncadd.s32 $0xFFFFFFFF  }
0xa7: {  	s26 =	simm.s32 $execute0_lowered;
	[smem:$0x3FD2] =	sst s25  }
0xa8: {  	s7 =	sshll.u32 s26, $0x1;
	_ =	strace $0x80000046;
	[dreg:$0x1] =	wrdreg $0xFFFFFFFF  }
0xa9: {  	s28 =	simm.s32 $_size_execute0_lowered;
	s5 =	sadd.s32 s5, s7;
	[dreg:$0x0] =	wrdreg $0x0  }
0xaa: {  	s7 =	sshll.u32 s28, $0x1;
	[dreg:$0x2] =	wrdreg s5  }
0xab: {  	[dreg:$0x3] =	wrdreg s7  }
0xac: {  	[dreg:$0x4] =	wrdreg $0xC0  }
0xad: {  	_ =	task [dreg:s9], $0x5FFFF  }
0xae: {  	[dreg:$0x1] =	wrdreg $0xFFFFFFFF  }
0xaf: {  	[dreg:$0x0] =	wrdreg $0x60  }
0xb0: {  	[dreg:$0x2] =	wrdreg s2  }
0xb1: {  	[dreg:$0x3] =	wrdreg s24  }
0xb2: {  	[dreg:$0x4] =	wrdreg s18  }
0xb3: {  	[dreg:$0x5] =	wrdreg s4  }
0xb4: {  	[dreg:$0x6] =	wrdreg $0x98000  }
0xb5: {  	[dreg:$0x7] =	wrdreg $0x9  }
0xb6: {  	_ =	task.clear_ibuf [dreg:s9], $0x8FFFF;
	_ =	strace $0x90000046  }
0xb7: {  	s29 =	simm.s32 $0x9;
	_ =	strace $0x80000048  }
0xb8: {  	_ =	swait.ge [sflag:s29], $0x1  }
0xb9: {  	[sflag:s29] =	ssyncadd.s32 $0xFFFFFFFF  }
0xba: {  	_ =	strace $0x90000048  }
0xbb: {  	_ =	sfence  }
0xbc: {  	s30 =	sld [smem:$0x0];
	_ =	sdelay $0x2  }
0xbd: {  	s31 =	sshll.u32 s1, $0xD;
	s1 =	sshrl.u32 s1, $0x2  }
0xbe: {  	s3 =	sand.u32 $0x4000, s31;
	s1 =	sadd.s32 s1, s30  }
0xbf: {  	s0 =	sor.u32 s3, s0;
	s1 =	sshll.u32 s1, $0x11  }
0xc0: {  	s0 =	sor.u32 s1, s0  }
0xc1: {  	s0 =	sadd.s32 $0x8F2B, s0  }
0xc2: {  	[sflag:s0] =	ssyncadd.remote.s32 $0x1  }
0xc3: {  	_ =	sfence.sel $0xFFFF  }
0xc4: {  	[dreg:$0x0] =	wrdreg $0xFFFFFFFF;
	(pc) =	sbr.abs _section_cstart, $3  }
0xc5: {  	[dreg:$0x1] =	wrdreg $0xFFFFFFFF  }
0xc6: {  	_ =	task.clear_ibuf [dreg:s9], $0x2FFFF;
	_ =	strace $0x9FFFFFFF  }
0xc7: {  	(tm) =	ssettm $0x7FFFFFFF  }
tec
execute0_lowered:
.L_overlay_start_1:
0x0: {  	(tag) =	ssettag $0x1  }
0x1: {  	s22 =	stileid.u32  }
0x2: {  	s0 =	srdreg.scid;
	s9 =	smul.u32 $0x500, s22  }
0x3: {  	s6 =	sand.u32 $0x1, s0;
	s26 =	smul.u32 $0x2800, s22  }
0x4: {  	s7 =	sor.u32 $0x10, s22;
	s8 =	smul.u32 $0x138800, s6  }
0x5: {  	s4 =	sor.u32 $0x20, s22;
	s10 =	smul.u32 $0x500, s7  }
0x6: {  	s5 =	sor.u32 $0x30, s22;
	s11 =	smul.u32 $0x500, s4  }
0x7: {  	s3 =	sor.u32 $0x40, s22;
	s12 =	smul.u32 $0x500, s5  }
0x8: {  	s2 =	sor.u32 $0x50, s22;
	s13 =	smul.u32 $0x500, s3  }
0x9: {  	s1 =	sor.u32 $0x60, s22;
	s14 =	smul.u32 $0x500, s2  }
0xa: {  	s0 =	sor.u32 $0x70, s22;
	s16 =	smul.u32 $0x500, s1  }
0xb: {  	s18 =	smul.u32 $0x500, s0  }
0xc: {  	s19 =	rddreg [dreg:$0x2];
	s21 =	smul.u32 $0x2800, s5  }
0xd: {  	s29 =	simm.s32 $0x980;
	s30 =	simm.s32 $0x1900;
	s25 =	smul.u32 $0x2800, s3  }
0xe: {  	s31 =	simm.s32 $0xA00;
	s15 =	ssub.s32 $0x2, s6;
	s5 =	smul.u32 $0xA000, s5  }
0xf: {  	s3 =	smul.u32 $0xA000, s3;
	s17 =	sshrl.u32 s15, $0x1;
	s9 =	sadd.s32 s19, s9  }
0x10: {  	s15 =	ssub.s32 s15, s17;
	[dreg:$0x6] =	wrdreg s9;
	s10 =	sadd.s32 s19, s10  }
0x11: {  	s9 =	smul.u32 $0x2800, s7;
	s11 =	sadd.s32 s19, s11;
	s12 =	sadd.s32 s19, s12  }
0x12: {  	s13 =	sadd.s32 s19, s13;
	s20 =	sadd.s32 s19, s14;
	s17 =	rddreg [dreg:$0x0]  }
0x13: {  	s24 =	sadd.s32 s19, s18;
	s18 =	smul.u32 $0x2800, s2;
	[dreg:$0x7] =	wrdreg s10  }
0x14: {  	s23 =	sadd.s32 s19, s16;
	s19 =	smul.u32 $0x2800, s1;
	[dreg:$0x8] =	wrdreg s11  }
0x15: {  	s28 =	simm.s32 $0x1C00;
	s7 =	smul.u32 $0xA000, s7;
	[dreg:$0x9] =	wrdreg s12  }
0x16: {  	p0 =	sgt.u32 s0, $0x7C;
	s2 =	smul.u32 $0xA000, s2;
	[dreg:$0xa] =	wrdreg s13  }
0x17: {  	s26 =	sadd.s32 s8, s26;
	s1 =	smul.u32 $0xA000, s1;
	[dreg:$0xb] =	wrdreg s20  }
0x18: {  	s5 =	sshrl.u32 s5, $0x2;
	s10 =	smul.u32 $0x2800, s4;
	[dreg:$0xc] =	wrdreg s23  }
0x19: {  	s3 =	sshrl.u32 s3, $0x2;
	[dreg:$0xd] =	wrdreg s24;
	s20 =	smul.u32 $0x2800, s0  }
0x1a: {  	s11 =	sadd.s32 s8, s21;
	s23 =	sshll.u32 s6, $0x4;
	s6 =	smul.u32 $0xA0000, s6  }
0x1b: {  	s12 =	sadd.s32 s8, s25;
	s21 =	simm.s32 $0x0;
	s4 =	smul.u32 $0xA000, s4  }
0x1c: {  	s13 =	sshrl.u32 s26, $0x3;
	s25 =	rddreg [dreg:$0x3];
	s0 =	smul.u32 $0xA000, s0  }
0x1d: {  	s9 =	sadd.s32 s8, s9;
	s14 =	sadd.s32 s8, s18;
	s16 =	sadd.s32 s8, s19  }
0x1e: {  	[smem:$0x7FF] =	sst s21;
	s24 =	sor.u32 s22, s23;
	s13 =	sadd.s32 s25, s13  }
0x1f: {  	s21 =	rddreg [dreg:$0x4];
	s19 =	smul.u32 $0xA000, s22;
	s23 =	smax.u32 s15, $0x1  }
0x20: {  	s7 =	sshrl.u32 s7, $0x2;
	s2 =	sshrl.u32 s2, $0x2;
	s1 =	sshrl.u32 s1, $0x2  }
0x21: {  	s15 =	simm.s32 $0x1080;
	s10 =	sadd.s32 s8, s10;
	s9 =	sshrl.u32 s9, $0x3  }
0x22: {  	s8 =	sadd.s32 s8, s20;
	[dreg:$0xe] =	wrdreg s13;
	s9 =	sadd.s32 s25, s9  }
0x23: {  	s10 =	sshrl.u32 s10, $0x3;
	s8 =	sshrl.u32 s8, $0x3;
	[dreg:$0xf] =	wrdreg s9  }
0x24: {  	s26 =	sadd.s32 s25, s10;
	s10 =	sshrl.u32 s11, $0x3;
	s11 =	sshrl.u32 s12, $0x3  }
0x25: {  	s12 =	sshrl.u32 s14, $0x3;
	s14 =	sshrl.u32 s16, $0x3;
	s16 =	rddreg [dreg:$0x1]  }
0x26: {  	s18 =	smul.u32 $0xA000, s24;
	s8 =	sadd.s32 s25, s8;
	[dreg:$0x10] =	wrdreg s26  }
0x27: {  	s7 =	sadd.s32 s7, s21;
	s9 =	sadd.s32 s25, s10;
	[dreg:$0x15] =	wrdreg s8  }
0x28: {  	s4 =	sshrl.u32 s4, $0x2;
	s13 =	sadd.s32 s25, s12;
	[dreg:$0x11] =	wrdreg s9  }
0x29: {  	s3 =	sadd.s32 s3, s21;
	s9 =	sadd.s32 s25, s11;
	[dreg:$0x13] =	wrdreg s13  }
0x2a: {  	s0 =	sshrl.u32 s0, $0x2;
	[dreg:$0x12] =	wrdreg s9;
	s9 =	sadd.s32 s25, s14  }
0x2b: {  	s2 =	sadd.s32 s2, s21;
	s24 =	sshrl.u32 s19, $0x2;
	[dreg:$0x14] =	wrdreg s9  }
0x2c: {  	s8 =	sadd.s32 s24, s21;
	_ =	strace $0x80000047;
	[dreg:$0x17] =	wrdreg s23  }
0x2d: {  	s1 =	sadd.s32 s1, s21;
	s6 =	sadd.s32 s19, s6;
	[dreg:$0x18] =	wrdreg s8  }
0x2e: {  	s4 =	sadd.s32 s4, s21;
	s0 =	sadd.s32 s0, s21;
	[dreg:$0x19] =	wrdreg s7  }
0x2f: {  	s19 =	simm.s32 $0x1980;
	s25 =	sadd.s32 s5, s21;
	[dreg:$0x1a] =	wrdreg s4  }
0x30: {  	s18 =	sshrl.u32 s18, $0x3;
	s20 =	sadd.s32 $0x400, s16;
	[dreg:$0x1b] =	wrdreg s25  }
0x31: {  	s10 =	simm.s32 $0x2;
	s12 =	simm.s32 $0x4;
	[dreg:$0x1c] =	wrdreg s3  }
0x32: {  	s16 =	simm.s32 $0x5;
	s24 =	simm.s32 $0x6;
	[dreg:$0x1d] =	wrdreg s2  }
0x33: {  	s22 =	sadd.s32 s20, s18;
	s13 =	simm.s32 $0x1000;
	[dreg:$0x1e] =	wrdreg s1  }
0x34: {  	s18 =	simm.s32 $0x1A80;
	s26 =	sadd.s32 $0x200, s22;
	[dreg:$0x1f] =	wrdreg s0  }
0x35: {  	s5 =	simm.s32 $0x2000;
	s14 =	simm.s32 $0x3;
	[dreg:$0x16] =	wrdreg s22  }
0x36: {  	s0 =	sadd.s32 $0x2000, s6;
	[smem:$0x7FD] =	sst s26;
	s1 =	simm.s32 $0x7  }
0x37: {  	s4 =	simm.s32 $0x50;
	s6 =	simm.s32 $0x4800;
	s7 =	simm.s32 $0x7000  }
0x38: {  	s8 =	simm.s32 $0x1;
	s3 =	simm.s32 $0x0;
	s23 =	simm.s32 $0xB80  }
0x39: {  	s25 =	simm.s32 $0x1B00;
	s22 =	simm.s32 $0xC00;
	s26 =	simm.s32 $0x1B80  }
.LBB2_1:
0x3a: {  	s9 =	rddreg [dreg:$0x16]  }
0x3b: {  	s2 =	simm.s32 $0x0;
	s11 =	sld [smem:$0x7FD]  }
0x3c: {  	[tilespmem:s2], [sflag:$0x7] =	stream.linear.gather [hbm4b:s9+s2], $0xC80, $0x38;
	[tilespmem:$0x1D080] =	vst v63  }
0x3d: {  	[smem:$0x7F3] =	sst s3  }
0x3e: {  	[tilespmem:s13], [sflag:$0x7] =	stream.linear.gather [hbm4b:s11+s2], $0xC80, $0x38;
	[tilespmem:$0x1D080] =	vst v63  }
0x3f: {  	_ =	swait.ge [sflag:s1], $0x1900  }
0x40: {  	[sflag:s1] =	ssyncset.done $0x0  }
0x41: {  	[sflag:s1] =	ssyncadd.s32 $0xFFFFE700  }
0x42: {  	[tilespmem:s5], [sflag:$0x1] =	stream.indirect.gather [hbm4b:s17+s4], $0x80, s2, s4, $0xb8;
	[tilespmem:$0x1D080] =	vst v63  }
0x43: {  	s3 =	simm.s32 $0x80;
	s11 =	stileid.u32  }
0x44: {  	[tilespmem:s6], [sflag:$0x2] =	stream.indirect.gather [hbm4b:s17+s4], $0x80, s3, s4, $0xb8;
	[tilespmem:$0x1D080] =	vst v63  }
0x45: {  	s3 =	sshll.u32 s11, $0x6;
	s11 =	rddreg [dreg:$0x18]  }
0x46: {  	s9 =	simm.s32 $0x100;
	s2 =	sshrl.u32 s11, $0x3;
	s11 =	rddreg [dreg:$0x6]  }
0x47: {  	[tilespmem:s7], [sflag:$0x3] =	stream.indirect.gather [hbm4b:s17+s4], $0x80, s9, s4, $0xb8;
	[tilespmem:$0x1D080] =	vst v63  }
0x48: {  	s3 =	sor.u32 $0x1C07, s3;
	[smem:$0x7F4] =	sst s2  }
0x49: {  	[spmem:s2], [sflag:s3] =	dma.local [hbm:s11], $0x500  }
0x4a: {  	_ =	swait.ge [sflag:s1], $0x500  }
0x4b: {  	s11 =	rddreg [dreg:$0x19]  }
0x4c: {  	[sflag:s1] =	ssyncset.done $0x0;
	s2 =	sshrl.u32 s11, $0x3;
	s11 =	rddreg [dreg:$0x7]  }
0x4d: {  	[sflag:s1] =	ssyncadd.s32 $0xFFFFFB00;
	[smem:$0x7F5] =	sst s2  }
0x4e: {  	[spmem:s2], [sflag:s3] =	dma.local [hbm:s11], $0x500  }
0x4f: {  	_ =	swait.ge [sflag:s1], $0x500  }
0x50: {  	s11 =	rddreg [dreg:$0x1a]  }
0x51: {  	[sflag:s1] =	ssyncset.done $0x0;
	s2 =	sshrl.u32 s11, $0x3;
	s11 =	rddreg [dreg:$0x8]  }
0x52: {  	[sflag:s1] =	ssyncadd.s32 $0xFFFFFB00;
	[smem:$0x7F6] =	sst s2  }
0x53: {  	[spmem:s2], [sflag:s3] =	dma.local [hbm:s11], $0x500  }
0x54: {  	_ =	swait.ge [sflag:s1], $0x500  }
0x55: {  	s11 =	rddreg [dreg:$0x1b]  }
0x56: {  	[sflag:s1] =	ssyncset.done $0x0;
	s2 =	sshrl.u32 s11, $0x3;
	s11 =	rddreg [dreg:$0x9]  }
0x57: {  	[sflag:s1] =	ssyncadd.s32 $0xFFFFFB00;
	[smem:$0x7F7] =	sst s2  }
0x58: {  	[spmem:s2], [sflag:s3] =	dma.local [hbm:s11], $0x500  }
0x59: {  	_ =	swait.ge [sflag:s1], $0x500  }
0x5a: {  	s11 =	rddreg [dreg:$0x1c]  }
0x5b: {  	[sflag:s1] =	ssyncset.done $0x0;
	s2 =	sshrl.u32 s11, $0x3;
	s11 =	rddreg [dreg:$0xa]  }
0x5c: {  	[sflag:s1] =	ssyncadd.s32 $0xFFFFFB00;
	[smem:$0x7F8] =	sst s2  }
0x5d: {  	[spmem:s2], [sflag:s3] =	dma.local [hbm:s11], $0x500  }
0x5e: {  	_ =	swait.ge [sflag:s1], $0x500  }
0x5f: {  	s11 =	rddreg [dreg:$0x1d]  }
0x60: {  	[sflag:s1] =	ssyncset.done $0x0;
	s2 =	sshrl.u32 s11, $0x3;
	s11 =	rddreg [dreg:$0xb]  }
0x61: {  	[sflag:s1] =	ssyncadd.s32 $0xFFFFFB00;
	[smem:$0x7F9] =	sst s2  }
0x62: {  	[spmem:s2], [sflag:s3] =	dma.local [hbm:s11], $0x500  }
0x63: {  	_ =	swait.ge [sflag:s1], $0x500  }
0x64: {  	s11 =	rddreg [dreg:$0x1e]  }
0x65: {  	[sflag:s1] =	ssyncset.done $0x0;
	s2 =	sshrl.u32 s11, $0x3;
	s11 =	rddreg [dreg:$0xc]  }
0x66: {  	[sflag:s1] =	ssyncadd.s32 $0xFFFFFB00;
	[smem:$0x7FA] =	sst s2  }
0x67: {  	[spmem:s2], [sflag:s3] =	dma.local [hbm:s11], $0x500  }
0x68: {  	_ =	swait.ge [sflag:s1], $0x500  }
0x69: {  	s2 =	rddreg [dreg:$0x1f]  }
0x6a: {  	[sflag:s1] =	ssyncset.done $0x0;
	[smem:$0x7FB] =	sst s3  }
0x6b: {  	[sflag:s1] =	ssyncadd.s32 $0xFFFFFB00;
	s1 =	sshrl.u32 @!p0 s2, $0x3;
	s2 =	rddreg [dreg:$0xd]  }
0x6c: {  	s11 =	simm.s32 @!p0 $0x7;
	[smem:$0x7FC] =	sst s1  }
0x6d: {  	[spmem:s1], [sflag:s3] =	dma.local @!p0 [hbm:s2], $0x500  }
0x6e: {  	_ =	swait.ge @!p0 [sflag:s11], $0x500  }
0x6f: {  	[sflag:s11] =	ssyncset.done @!p0 $0x0  }
0x70: {  	s9 =	simm.s32 $0x1A00;
	s1 =	simm.s32 $0xA80;
	[sflag:s11] =	ssyncadd.s32 @!p0 $0xFFFFFB00  }
0x71: {  	s3 =	simm.s32 $0xB00;
	s11 =	simm.s32 $0x0;
	[bflag:$0x0] =	sbarrier.arrive $0xFFFF  }
.LBB2_2:
0x72: {  	_ =	swait.ge [sflag:s8], $0x2800  }
0x73: {  	[sflag:s8] =	ssyncset.done $0x0  }
0x74: {  	[sflag:s8] =	ssyncadd.s32 $0xFFFFD800  }
0x75: {  	[spmem:s21] =	stream.indirect.scatter.add.f32 [tilespmem:s5], [sflag:$0x4], $0x80, s13, s4, $0xb8;
	[tilespmem:$0x1D080] =	vst v63  }
0x76: {  	_ =	swait.ge [sflag:s10], $0x2800  }
0x77: {  	[sflag:s10] =	ssyncset.done $0x0  }
0x78: {  	[sflag:s10] =	ssyncadd.s32 $0xFFFFD800  }
0x79: {  	[spmem:s21] =	stream.indirect.scatter.add.f32 [tilespmem:s6], [sflag:$0x5], $0x80, s15, s4, $0xb8;
	[tilespmem:$0x1D080] =	vst v63  }
0x7a: {  	_ =	swait.ge [sflag:s12], $0x2800  }
0x7b: {  	[sflag:s12] =	ssyncset.done $0x0  }
0x7c: {  	s2 =	simm.s32 $0x180;
	[sflag:s12] =	ssyncadd.s32 $0xFFFFD800  }
0x7d: {  	[tilespmem:s5], [sflag:$0x1] =	stream.indirect.gather [hbm4b:s17+s4], $0x80, s2, s4, $0xb8;
	[tilespmem:$0x1D080] =	vst v63  }
0x7e: {  	_ =	swait.ge [sflag:s14], $0x2800  }
0x7f: {  	[sflag:s14] =	ssyncset.done $0x0  }
0x80: {  	s15 =	simm.s32 $0x1100;
	[sflag:s14] =	ssyncadd.s32 $0xFFFFD800  }
0x81: {  	[spmem:s21] =	stream.indirect.scatter.add.f32 [tilespmem:s7], [sflag:$0x6], $0x80, s15, s4, $0xb8;
	[tilespmem:$0x1D080] =	vst v63  }
0x82: {  	_ =	swait.ge [sflag:s16], $0x2800  }
0x83: {  	[sflag:s16] =	ssyncset.done $0x0  }
0x84: {  	s13 =	simm.s32 $0x200;
	[sflag:s16] =	ssyncadd.s32 $0xFFFFD800  }
0x85: {  	[tilespmem:s6], [sflag:$0x2] =	stream.indirect.gather [hbm4b:s17+s4], $0x80, s13, s4, $0xb8;
	[tilespmem:$0x1D080] =	vst v63  }
0x86: {  	_ =	swait.ge [sflag:s8], $0x2800  }
0x87: {  	[sflag:s8] =	ssyncset.done $0x0  }
0x88: {  	s15 =	simm.s32 $0x1180;
	[sflag:s8] =	ssyncadd.s32 $0xFFFFD800  }
0x89: {  	[spmem:s21] =	stream.indirect.scatter.add.f32 [tilespmem:s5], [sflag:$0x4], $0x80, s15, s4, $0xb8;
	[tilespmem:$0x1D080] =	vst v63  }
0x8a: {  	_ =	swait.ge [sflag:s24], $0x2800  }
0x8b: {  	[sflag:s24] =	ssyncset.done $0x0  }
0x8c: {  	s13 =	simm.s32 $0x280;
	[sflag:s24] =	ssyncadd.s32 $0xFFFFD800  }
0x8d: {  	[tilespmem:s7], [sflag:$0x3] =	stream.indirect.gather [hbm4b:s17+s4], $0x80, s13, s4, $0xb8;
	[tilespmem:$0x1D080] =	vst v63  }
0x8e: {  	_ =	swait.ge [sflag:s10], $0x2800  }
0x8f: {  	[sflag:s10] =	ssyncset.done $0x0  }
0x90: {  	s15 =	simm.s32 $0x1200;
	[sflag:s10] =	ssyncadd.s32 $0xFFFFD800  }
0x91: {  	[spmem:s21] =	stream.indirect.scatter.add.f32 [tilespmem:s6], [sflag:$0x5], $0x80, s15, s4, $0xb8;
	[tilespmem:$0x1D080] =	vst v63  }
0x92: {  	_ =	swait.ge [sflag:s12], $0x2800  }
0x93: {  	[sflag:s12] =	ssyncset.done $0x0  }
0x94: {  	s13 =	simm.s32 $0x300;
	[sflag:s12] =	ssyncadd.s32 $0xFFFFD800  }
0x95: {  	[tilespmem:s5], [sflag:$0x1] =	stream.indirect.gather [hbm4b:s17+s4], $0x80, s13, s4, $0xb8;
	[tilespmem:$0x1D080] =	vst v63  }
0x96: {  	_ =	swait.ge [sflag:s14], $0x2800  }
0x97: {  	[sflag:s14] =	ssyncset.done $0x0  }
0x98: {  	s15 =	simm.s32 $0x1280;
	[sflag:s14] =	ssyncadd.s32 $0xFFFFD800  }
0x99: {  	[spmem:s21] =	stream.indirect.scatter.add.f32 [tilespmem:s7], [sflag:$0x6], $0x80, s15, s4, $0xb8;
	[tilespmem:$0x1D080] =	vst v63  }
0x9a: {  	_ =	swait.ge [sflag:s16], $0x2800  }
0x9b: {  	[sflag:s16] =	ssyncset.done $0x0  }
0x9c: {  	s13 =	simm.s32 $0x380;
	[sflag:s16] =	ssyncadd.s32 $0xFFFFD800  }
0x9d: {  	[tilespmem:s6], [sflag:$0x2] =	stream.indirect.gather [hbm4b:s17+s4], $0x80, s13, s4, $0xb8;
	[tilespmem:$0x1D080] =	vst v63  }
0x9e: {  	_ =	swait.ge [sflag:s8], $0x2800  }
0x9f: {  	[sflag:s8] =	ssyncset.done $0x0  }
0xa0: {  	s15 =	simm.s32 $0x1300;
	[sflag:s8] =	ssyncadd.s32 $0xFFFFD800  }
0xa1: {  	[spmem:s21] =	stream.indirect.scatter.add.f32 [tilespmem:s5], [sflag:$0x4], $0x80, s15, s4, $0xb8;
	[tilespmem:$0x1D080] =	vst v63  }
0xa2: {  	_ =	swait.ge [sflag:s24], $0x2800  }
0xa3: {  	[sflag:s24] =	ssyncset.done $0x0  }
0xa4: {  	s13 =	simm.s32 $0x400;
	[sflag:s24] =	ssyncadd.s32 $0xFFFFD800  }
0xa5: {  	[tilespmem:s7], [sflag:$0x3] =	stream.indirect.gather [hbm4b:s17+s4], $0x80, s13, s4, $0xb8;
	[tilespmem:$0x1D080] =	vst v63  }
0xa6: {  	_ =	swait.ge [sflag:s10], $0x2800  }
0xa7: {  	[sflag:s10] =	ssyncset.done $0x0  }
0xa8: {  	s15 =	simm.s32 $0x1380;
	[sflag:s10] =	ssyncadd.s32 $0xFFFFD800  }
0xa9: {  	[spmem:s21] =	stream.indirect.scatter.add.f32 [tilespmem:s6], [sflag:$0x5], $0x80, s15, s4, $0xb8;
	[tilespmem:$0x1D080] =	vst v63  }
0xaa: {  	_ =	swait.ge [sflag:s12], $0x2800  }
0xab: {  	[sflag:s12] =	ssyncset.done $0x0  }
0xac: {  	s13 =	simm.s32 $0x480;
	[sflag:s12] =	ssyncadd.s32 $0xFFFFD800  }
0xad: {  	[tilespmem:s5], [sflag:$0x1] =	stream.indirect.gather [hbm4b:s17+s4], $0x80, s13, s4, $0xb8;
	[tilespmem:$0x1D080] =	vst v63  }
0xae: {  	_ =	swait.ge [sflag:s14], $0x2800  }
0xaf: {  	[sflag:s14] =	ssyncset.done $0x0  }
0xb0: {  	s15 =	simm.s32 $0x1400;
	[sflag:s14] =	ssyncadd.s32 $0xFFFFD800  }
0xb1: {  	[spmem:s21] =	stream.indirect.scatter.add.f32 [tilespmem:s7], [sflag:$0x6], $0x80, s15, s4, $0xb8;
	[tilespmem:$0x1D080] =	vst v63  }
0xb2: {  	_ =	swait.ge [sflag:s16], $0x2800  }
0xb3: {  	[sflag:s16] =	ssyncset.done $0x0  }
0xb4: {  	s13 =	simm.s32 $0x500;
	[sflag:s16] =	ssyncadd.s32 $0xFFFFD800  }
0xb5: {  	[tilespmem:s6], [sflag:$0x2] =	stream.indirect.gather [hbm4b:s17+s4], $0x80, s13, s4, $0xb8;
	[tilespmem:$0x1D080] =	vst v63  }
0xb6: {  	_ =	swait.ge [sflag:s8], $0x2800  }
0xb7: {  	[sflag:s8] =	ssyncset.done $0x0  }
0xb8: {  	s15 =	simm.s32 $0x1480;
	[sflag:s8] =	ssyncadd.s32 $0xFFFFD800  }
0xb9: {  	[spmem:s21] =	stream.indirect.scatter.add.f32 [tilespmem:s5], [sflag:$0x4], $0x80, s15, s4, $0xb8;
	[tilespmem:$0x1D080] =	vst v63  }
0xba: {  	_ =	swait.ge [sflag:s24], $0x2800  }
0xbb: {  	[sflag:s24] =	ssyncset.done $0x0  }
0xbc: {  	s13 =	simm.s32 $0x580;
	[sflag:s24] =	ssyncadd.s32 $0xFFFFD800  }
0xbd: {  	[tilespmem:s7], [sflag:$0x3] =	stream.indirect.gather [hbm4b:s17+s4], $0x80, s13, s4, $0xb8;
	[tilespmem:$0x1D080] =	vst v63  }
0xbe: {  	_ =	swait.ge [sflag:s10], $0x2800  }
0xbf: {  	[sflag:s10] =	ssyncset.done $0x0  }
0xc0: {  	s15 =	simm.s32 $0x1500;
	[sflag:s10] =	ssyncadd.s32 $0xFFFFD800  }
0xc1: {  	[spmem:s21] =	stream.indirect.scatter.add.f32 [tilespmem:s6], [sflag:$0x5], $0x80, s15, s4, $0xb8;
	[tilespmem:$0x1D080] =	vst v63  }
0xc2: {  	_ =	swait.ge [sflag:s12], $0x2800  }
0xc3: {  	[sflag:s12] =	ssyncset.done $0x0  }
0xc4: {  	s13 =	simm.s32 $0x600;
	[sflag:s12] =	ssyncadd.s32 $0xFFFFD800  }
0xc5: {  	[tilespmem:s5], [sflag:$0x1] =	stream.indirect.gather [hbm4b:s17+s4], $0x80, s13, s4, $0xb8;
	[tilespmem:$0x1D080] =	vst v63  }
0xc6: {  	_ =	swait.ge [sflag:s14], $0x2800  }
0xc7: {  	[sflag:s14] =	ssyncset.done $0x0  }
0xc8: {  	s15 =	simm.s32 $0x1580;
	[sflag:s14] =	ssyncadd.s32 $0xFFFFD800  }
0xc9: {  	[spmem:s21] =	stream.indirect.scatter.add.f32 [tilespmem:s7], [sflag:$0x6], $0x80, s15, s4, $0xb8;
	[tilespmem:$0x1D080] =	vst v63  }
0xca: {  	_ =	swait.ge [sflag:s16], $0x2800  }
0xcb: {  	[sflag:s16] =	ssyncset.done $0x0  }
0xcc: {  	s13 =	simm.s32 $0x680;
	[sflag:s16] =	ssyncadd.s32 $0xFFFFD800  }
0xcd: {  	[tilespmem:s6], [sflag:$0x2] =	stream.indirect.gather [hbm4b:s17+s4], $0x80, s13, s4, $0xb8;
	[tilespmem:$0x1D080] =	vst v63  }
0xce: {  	_ =	swait.ge [sflag:s8], $0x2800  }
0xcf: {  	[sflag:s8] =	ssyncset.done $0x0  }
0xd0: {  	s15 =	simm.s32 $0x1600;
	[sflag:s8] =	ssyncadd.s32 $0xFFFFD800  }
0xd1: {  	[spmem:s21] =	stream.indirect.scatter.add.f32 [tilespmem:s5], [sflag:$0x4], $0x80, s15, s4, $0xb8;
	[tilespmem:$0x1D080] =	vst v63  }
0xd2: {  	_ =	swait.ge [sflag:s24], $0x2800  }
0xd3: {  	[sflag:s24] =	ssyncset.done $0x0  }
0xd4: {  	s13 =	simm.s32 $0x700;
	[sflag:s24] =	ssyncadd.s32 $0xFFFFD800  }
0xd5: {  	[tilespmem:s7], [sflag:$0x3] =	stream.indirect.gather [hbm4b:s17+s4], $0x80, s13, s4, $0xb8;
	[tilespmem:$0x1D080] =	vst v63  }
0xd6: {  	_ =	swait.ge [sflag:s10], $0x2800  }
0xd7: {  	[sflag:s10] =	ssyncset.done $0x0  }
0xd8: {  	s15 =	simm.s32 $0x1680;
	[sflag:s10] =	ssyncadd.s32 $0xFFFFD800  }
0xd9: {  	[spmem:s21] =	stream.indirect.scatter.add.f32 [tilespmem:s6], [sflag:$0x5], $0x80, s15, s4, $0xb8;
	[tilespmem:$0x1D080] =	vst v63  }
0xda: {  	_ =	swait.ge [sflag:s12], $0x2800  }
0xdb: {  	[sflag:s12] =	ssyncset.done $0x0  }
0xdc: {  	s13 =	simm.s32 $0x780;
	[sflag:s12] =	ssyncadd.s32 $0xFFFFD800  }
0xdd: {  	[tilespmem:s5], [sflag:$0x1] =	stream.indirect.gather [hbm4b:s17+s4], $0x80, s13, s4, $0xb8;
	[tilespmem:$0x1D080] =	vst v63  }
0xde: {  	_ =	swait.ge [sflag:s14], $0x2800  }
0xdf: {  	[sflag:s14] =	ssyncset.done $0x0  }
0xe0: {  	s15 =	simm.s32 $0x1700;
	[sflag:s14] =	ssyncadd.s32 $0xFFFFD800  }
0xe1: {  	[spmem:s21] =	stream.indirect.scatter.add.f32 [tilespmem:s7], [sflag:$0x6], $0x80, s15, s4, $0xb8;
	[tilespmem:$0x1D080] =	vst v63  }
0xe2: {  	_ =	swait.ge [sflag:s16], $0x2800  }
0xe3: {  	[sflag:s16] =	ssyncset.done $0x0  }
0xe4: {  	s13 =	simm.s32 $0x800;
	[sflag:s16] =	ssyncadd.s32 $0xFFFFD800  }
0xe5: {  	[tilespmem:s6], [sflag:$0x2] =	stream.indirect.gather [hbm4b:s17+s4], $0x80, s13, s4, $0xb8;
	[tilespmem:$0x1D080] =	vst v63  }
0xe6: {  	_ =	swait.ge [sflag:s8], $0x2800  }
0xe7: {  	[sflag:s8] =	ssyncset.done $0x0  }
0xe8: {  	s15 =	simm.s32 $0x1780;
	[sflag:s8] =	ssyncadd.s32 $0xFFFFD800  }
0xe9: {  	[spmem:s21] =	stream.indirect.scatter.add.f32 [tilespmem:s5], [sflag:$0x4], $0x80, s15, s4, $0xb8;
	[tilespmem:$0x1D080] =	vst v63  }
0xea: {  	_ =	swait.ge [sflag:s24], $0x2800  }
0xeb: {  	[sflag:s24] =	ssyncset.done $0x0  }
0xec: {  	s13 =	simm.s32 $0x880;
	[sflag:s24] =	ssyncadd.s32 $0xFFFFD800  }
0xed: {  	[tilespmem:s7], [sflag:$0x3] =	stream.indirect.gather [hbm4b:s17+s4], $0x80, s13, s4, $0xb8;
	[tilespmem:$0x1D080] =	vst v63  }
0xee: {  	_ =	swait.ge [sflag:s10], $0x2800  }
0xef: {  	[sflag:s10] =	ssyncset.done $0x0  }
0xf0: {  	s15 =	simm.s32 $0x1800;
	[sflag:s10] =	ssyncadd.s32 $0xFFFFD800  }
0xf1: {  	[spmem:s21] =	stream.indirect.scatter.add.f32 [tilespmem:s6], [sflag:$0x5], $0x80, s15, s4, $0xb8;
	[tilespmem:$0x1D080] =	vst v63  }
0xf2: {  	_ =	swait.ge [sflag:s12], $0x2800  }
0xf3: {  	[sflag:s12] =	ssyncset.done $0x0  }
0xf4: {  	s13 =	simm.s32 $0x900;
	[sflag:s12] =	ssyncadd.s32 $0xFFFFD800  }
0xf5: {  	[tilespmem:s5], [sflag:$0x1] =	stream.indirect.gather [hbm4b:s17+s4], $0x80, s13, s4, $0xb8;
	[tilespmem:$0x1D080] =	vst v63  }
0xf6: {  	_ =	swait.ge [sflag:s14], $0x2800  }
0xf7: {  	[sflag:s14] =	ssyncset.done $0x0  }
0xf8: {  	s15 =	simm.s32 $0x1880;
	[sflag:s14] =	ssyncadd.s32 $0xFFFFD800  }
0xf9: {  	[spmem:s21] =	stream.indirect.scatter.add.f32 [tilespmem:s7], [sflag:$0x6], $0x80, s15, s4, $0xb8;
	[tilespmem:$0x1D080] =	vst v63  }
0xfa: {  	_ =	swait.ge [sflag:s16], $0x2800  }
0xfb: {  	[sflag:s16] =	ssyncset.done $0x0  }
0xfc: {  	[sflag:s16] =	ssyncadd.s32 $0xFFFFD800  }
0xfd: {  	[tilespmem:s6], [sflag:$0x2] =	stream.indirect.gather [hbm4b:s17+s4], $0x80, s29, s4, $0xb8;
	[tilespmem:$0x1D080] =	vst v63  }
0xfe: {  	_ =	swait.ge [sflag:s8], $0x2800  }
0xff: {  	[sflag:s8] =	ssyncset.done $0x0  }
0x100: {  	[sflag:s8] =	ssyncadd.s32 $0xFFFFD800  }
0x101: {  	[spmem:s21] =	stream.indirect.scatter.add.f32 [tilespmem:s5], [sflag:$0x4], $0x80, s30, s4, $0xb8;
	[tilespmem:$0x1D080] =	vst v63  }
0x102: {  	_ =	swait.ge [sflag:s24], $0x2800  }
0x103: {  	[sflag:s24] =	ssyncset.done $0x0  }
0x104: {  	[sflag:s24] =	ssyncadd.s32 $0xFFFFD800  }
0x105: {  	[tilespmem:s7], [sflag:$0x3] =	stream.indirect.gather [hbm4b:s17+s4], $0x80, s31, s4, $0xb8;
	[tilespmem:$0x1D080] =	vst v63  }
0x106: {  	_ =	swait.ge [sflag:s10], $0x2800  }
0x107: {  	[sflag:s10] =	ssyncset.done $0x0  }
0x108: {  	[sflag:s10] =	ssyncadd.s32 $0xFFFFD800  }
0x109: {  	[spmem:s21] =	stream.indirect.scatter.add.f32 [tilespmem:s6], [sflag:$0x5], $0x80, s19, s4, $0xb8;
	[tilespmem:$0x1D080] =	vst v63  }
0x10a: {  	_ =	swait.ge [sflag:s12], $0x2800  }
0x10b: {  	[sflag:s12] =	ssyncset.done $0x0  }
0x10c: {  	[sflag:s12] =	ssyncadd.s32 $0xFFFFD800  }
0x10d: {  	[tilespmem:s5], [sflag:$0x1] =	stream.indirect.gather [hbm4b:s17+s4], $0x80, s1, s4, $0xb8;
	[tilespmem:$0x1D080] =	vst v63  }
0x10e: {  	_ =	swait.ge [sflag:s14], $0x2800  }
0x10f: {  	[sflag:s14] =	ssyncset.done $0x0  }
0x110: {  	[sflag:s14] =	ssyncadd.s32 $0xFFFFD800  }
0x111: {  	[spmem:s21] =	stream.indirect.scatter.add.f32 [tilespmem:s7], [sflag:$0x6], $0x80, s9, s4, $0xb8;
	[tilespmem:$0x1D080] =	vst v63  }
0x112: {  	_ =	swait.ge [sflag:s16], $0x2800  }
0x113: {  	[sflag:s16] =	ssyncset.done $0x0  }
0x114: {  	[sflag:s16] =	ssyncadd.s32 $0xFFFFD800  }
0x115: {  	[tilespmem:s6], [sflag:$0x2] =	stream.indirect.gather [hbm4b:s17+s4], $0x80, s3, s4, $0xb8;
	[tilespmem:$0x1D080] =	vst v63  }
0x116: {  	_ =	swait.ge [sflag:s8], $0x2800  }
0x117: {  	[sflag:s8] =	ssyncset.done $0x0  }
0x118: {  	[sflag:s8] =	ssyncadd.s32 $0xFFFFD800  }
0x119: {  	[spmem:s21] =	stream.indirect.scatter.add.f32 [tilespmem:s5], [sflag:$0x4], $0x80, s18, s4, $0xb8;
	[tilespmem:$0x1D080] =	vst v63  }
0x11a: {  	_ =	swait.ge [sflag:s24], $0x2800  }
0x11b: {  	[sflag:s24] =	ssyncset.done $0x0  }
0x11c: {  	[sflag:s24] =	ssyncadd.s32 $0xFFFFD800  }
0x11d: {  	[tilespmem:s7], [sflag:$0x3] =	stream.indirect.gather [hbm4b:s17+s4], $0x80, s23, s4, $0xb8;
	[tilespmem:$0x1D080] =	vst v63  }
0x11e: {  	_ =	swait.ge [sflag:s10], $0x2800  }
0x11f: {  	[sflag:s10] =	ssyncset.done $0x0  }
0x120: {  	[sflag:s10] =	ssyncadd.s32 $0xFFFFD800  }
0x121: {  	[spmem:s21] =	stream.indirect.scatter.add.f32 [tilespmem:s6], [sflag:$0x5], $0x80, s25, s4, $0xb8;
	[tilespmem:$0x1D080] =	vst v63  }
0x122: {  	_ =	swait.ge [sflag:s12], $0x2800  }
0x123: {  	[sflag:s12] =	ssyncset.done $0x0  }
0x124: {  	[sflag:s12] =	ssyncadd.s32 $0xFFFFD800  }
0x125: {  	[tilespmem:s5], [sflag:$0x1] =	stream.indirect.gather [hbm4b:s17+s4], $0x80, s22, s4, $0xb8;
	[tilespmem:$0x1D080] =	vst v63  }
0x126: {  	_ =	swait.ge [sflag:s14], $0x2800  }
0x127: {  	[sflag:s14] =	ssyncset.done $0x0  }
0x128: {  	[sflag:s14] =	ssyncadd.s32 $0xFFFFD800  }
0x129: {  	[spmem:s21] =	stream.indirect.scatter.add.f32 [tilespmem:s7], [sflag:$0x6], $0x80, s26, s4, $0xb8;
	[tilespmem:$0x1D080] =	vst v63  }
0x12a: {  	_ =	swait.ge [sflag:s8], $0x2800  }
0x12b: {  	[sflag:s8] =	ssyncset.done $0x0  }
0x12c: {  	[sflag:s8] =	ssyncadd.s32 $0xFFFFD800  }
0x12d: {  	[spmem:s21] =	stream.indirect.scatter.add.f32 [tilespmem:s5], [sflag:$0x4], $0x80, s28, s4, $0xb8;
	[tilespmem:$0x1D080] =	vst v63  }
0x12e: {  	_ =	swait.ge [sflag:s16], $0x2800  }
0x12f: {  	[sflag:s16] =	ssyncset.done $0x0  }
0x130: {  	[sflag:s16] =	ssyncadd.s32 $0xFFFFD800  }
0x131: {  	_ =	swait.ge [sflag:s24], $0x2800  }
0x132: {  	[sflag:s24] =	ssyncset.done $0x0  }
0x133: {  	p1 =	seq.s32 s11, $0x8000;
	[sflag:s24] =	ssyncadd.s32 $0xFFFFD800  }
0x134: {  	s13 =	sadd.s32 @!p1 s11, s0;
	_ =	swait.ge [sflag:s12], $0x2800  }
0x135: {  	s13 =	sshrl.u32 @!p1 s13, $0x3;
	[sflag:s12] =	ssyncset.done $0x0  }
0x136: {  	s2 =	simm.s32 @!p1 $0x0;
	s13 =	sadd.s32 @!p1 s20, s13;
	[sflag:s12] =	ssyncadd.s32 $0xFFFFD800  }
0x137: {  	[tilespmem:s2], [sflag:$0x7] =	stream.linear.gather @!p1 [hbm4b:s13+s2], $0xC80, $0x38;
	[tilespmem:$0x1D080] =	vst v63  }
0x138: {  	s15 =	simm.s32 @!p1 $0x1000;
	s13 =	sadd.s32 @!p1 $0x200, s13  }
0x139: {  	[tilespmem:s15], [sflag:$0x7] =	stream.linear.gather @!p1 [hbm4b:s13+s2], $0xC80, $0x38;
	[tilespmem:$0x1D080] =	vst v63  }
0x13a: {  	s13 =	simm.s32 @!p1 $0x7  }
0x13b: {  	_ =	swait.ge @!p1 [sflag:s13], $0x1900  }
0x13c: {  	[sflag:s13] =	ssyncset.done @!p1 $0x0  }
0x13d: {  	s15 =	simm.s32 @!p1 $0x2000;
	[sflag:s13] =	ssyncadd.s32 @!p1 $0xFFFFE700;
	s13 =	simm.s32 @!p1 $0x50  }
0x13e: {  	[tilespmem:s15], [sflag:$0x1] =	stream.indirect.gather @!p1 [hbm4b:s17+s13], $0x80, s2, s13, $0xb8;
	[tilespmem:$0x1D080] =	vst v63  }
0x13f: {  	s11 =	sadd.s32 @!p1 $0x2000, s11;
	s2 =	simm.s32 @!p1 $0x80;
	s15 =	simm.s32 @!p1 $0x4800  }
0x140: {  	[tilespmem:s15], [sflag:$0x2] =	stream.indirect.gather @!p1 [hbm4b:s17+s13], $0x80, s2, s13, $0xb8;
	[tilespmem:$0x1D080] =	vst v63  }
0x141: {  	p2 =	sne.s32 @!p1 s11, $0xA000;
	s2 =	simm.s32 @!p1 $0x100;
	s15 =	simm.s32 @!p1 $0x7000  }
0x142: {  	[tilespmem:s15], [sflag:$0x3] =	stream.indirect.gather @!p1 [hbm4b:s17+s13], $0x80, s2, s13, $0xb8;
	[tilespmem:$0x1D080] =	vst v63  }
0x143: {  	p1 =	por p1, !p2  }
.Ltmp0:
0x144: {  	_ = 	snop;
	(pc) =	sbr.rel @!p1 .LBB2_2-.Ltmp0, $2  }
0x145: {  	_ =	sdelay $0x2  }
0x146: {  	s15 =	simm.s32 $0x1080;
	s13 =	simm.s32 $0x1000  }
0x147: {  	[bflag:$0x0] =	sbarrier.arrive $0xFFFF  }
0x148: {  	s3 =	sld [smem:$0x7FB]  }
0x149: {  	s1 =	sld [smem:$0x7F4];
	_ =	sdelay $0x1  }
0x14a: {  	s2 =	rddreg [dreg:$0xe]  }
0x14b: {  	[hbm:s2], [sflag:s3] =	dma.local [spmem:s1], $0x500  }
0x14c: {  	s1 =	simm.s32 $0x7  }
0x14d: {  	_ =	swait.ge [sflag:s1], $0x500  }
0x14e: {  	s9 =	sld [smem:$0x7F5]  }
0x14f: {  	[sflag:s1] =	ssyncset.done $0x0  }
0x150: {  	s11 =	rddreg [dreg:$0xf];
	[sflag:s1] =	ssyncadd.s32 $0xFFFFFB00  }
0x151: {  	[hbm:s11], [sflag:s3] =	dma.local [spmem:s9], $0x500  }
0x152: {  	_ =	swait.ge [sflag:s1], $0x500  }
0x153: {  	s11 =	sld [smem:$0x7F6]  }
0x154: {  	[sflag:s1] =	ssyncset.done $0x0  }
0x155: {  	s9 =	rddreg [dreg:$0x10];
	[sflag:s1] =	ssyncadd.s32 $0xFFFFFB00  }
0x156: {  	[hbm:s9], [sflag:s3] =	dma.local [spmem:s11], $0x500  }
0x157: {  	_ =	swait.ge [sflag:s1], $0x500  }
0x158: {  	s11 =	sld [smem:$0x7F7]  }
0x159: {  	[sflag:s1] =	ssyncset.done $0x0  }
0x15a: {  	s9 =	rddreg [dreg:$0x11];
	[sflag:s1] =	ssyncadd.s32 $0xFFFFFB00  }
0x15b: {  	[hbm:s9], [sflag:s3] =	dma.local [spmem:s11], $0x500  }
0x15c: {  	_ =	swait.ge [sflag:s1], $0x500  }
0x15d: {  	s11 =	sld [smem:$0x7F8]  }
0x15e: {  	[sflag:s1] =	ssyncset.done $0x0  }
0x15f: {  	s9 =	rddreg [dreg:$0x12];
	[sflag:s1] =	ssyncadd.s32 $0xFFFFFB00  }
0x160: {  	[hbm:s9], [sflag:s3] =	dma.local [spmem:s11], $0x500  }
0x161: {  	_ =	swait.ge [sflag:s1], $0x500  }
0x162: {  	s11 =	sld [smem:$0x7F9]  }
0x163: {  	[sflag:s1] =	ssyncset.done $0x0  }
0x164: {  	s9 =	rddreg [dreg:$0x13];
	[sflag:s1] =	ssyncadd.s32 $0xFFFFFB00  }
0x165: {  	[hbm:s9], [sflag:s3] =	dma.local [spmem:s11], $0x500  }
0x166: {  	_ =	swait.ge [sflag:s1], $0x500  }
0x167: {  	s11 =	sld [smem:$0x7FA]  }
0x168: {  	[sflag:s1] =	ssyncset.done $0x0  }
0x169: {  	s9 =	rddreg [dreg:$0x14];
	[sflag:s1] =	ssyncadd.s32 $0xFFFFFB00  }
0x16a: {  	[hbm:s9], [sflag:s3] =	dma.local [spmem:s11], $0x500  }
0x16b: {  	_ =	swait.ge [sflag:s1], $0x500  }
0x16c: {  	s9 =	sld [smem:$0x7FC]  }
0x16d: {  	[sflag:s1] =	ssyncset.done $0x0  }
0x16e: {  	s2 =	rddreg [dreg:$0x15];
	[sflag:s1] =	ssyncadd.s32 $0xFFFFFB00  }
0x16f: {  	[hbm:s2], [sflag:s3] =	dma.local @!p0 [spmem:s9], $0x500  }
0x170: {  	s2 =	simm.s32 @!p0 $0x7  }
0x171: {  	_ =	swait.ge @!p0 [sflag:s2], $0x500  }
0x172: {  	s9 =	sld [smem:$0x7F3];
	_ =	sdelay $0x2  }
0x173: {  	s11 =	rddreg [dreg:$0x17];
	s3 =	sadd.s32 $0x1, s9  }
0x174: {  	p1 =	sne.s32 s3, s11  }
.Ltmp1:
0x175: {  	_ = 	snop;
	(pc) =	sbr.rel @p1 .LBB2_1-.Ltmp1, $3  }
0x176: {  	_ =	sdelay $0x1  }
0x177: {  	[sflag:s2] =	ssyncset.done @!p0 $0x0  }
0x178: {  	[sflag:s2] =	ssyncadd.s32 @!p0 $0xFFFFFB00  }
0x179: {  	_ =	sfence.sel $0x180000  }
0x17a: {  	[bflag:$0x0] =	sbarrier.arrive $0xFFFF  }
0x17b: {  	_ =	strace $0x90000047  }
0x17c: {  	s0 =	stileid.u32;
	[bflag:$0x2] =	sbarrier.arrive $0xFFFF  }
0x17d: {  	p0 =	sne.s32 s0, $0x0;
	s0 =	rddreg [dreg:$0x5]  }
0x17e: {  	s0 =	sadd.s32 @!p0 $0x100000, s0  }
0x17f: {  	[sflag:s0] =	ssyncadd.tile.s32 @!p0 $0x1;
	_ =	shalt  }
.Lfunc_end2:
_tile_overlayer_lowered:
.L_overlay_start_2:
0x180: {  	(tag) =	ssettag $0x2  }
0x181: {  	s0 =	rddreg [dreg:$0x0];
	s2 =	stileid.u32  }
0x182: {  	s1 =	rddreg [dreg:$0x1];
	p0 =	sne.s32 s2, $0x0  }
0x183: {  	s3 =	rddreg [dreg:$0x2];
	[bflag:$0x3] =	sbarrier.arrive $0xFFFF;
	s2 =	simm.s32 @!p0 $0x1C07  }
0x184: {  	[timem:s3], [sflag:s2] =	dma.local @!p0 [hbm:s0], s1  }
0x185: {  	s0 =	simm.s32 @!p0 $0x7  }
0x186: {  	_ =	swait.ge @!p0 [sflag:s0], s1  }
0x187: {  	s1 =	ssub.s32 @!p0 $0x0, s1;
	[sflag:s0] =	ssyncset.done @!p0 $0x0  }
0x188: {  	[sflag:s0] =	ssyncadd.s32 @!p0 s1  }
0x189: {  	[bflag:$0x3] =	sbarrier.arrive $0xFFFF  }
0x18a: {  	_ =	shalt  }

</sc_bundles>
